<compile_context>
chip_gen: v7x
topology: tpu7x:2x2x1
jax: 0.10.2.dev20260603
libtpu: 0.0.44.dev20260713+nightly
codegen_flags: <defaults>
</compile_context>

<pallas_src>
import functools

import jax
import jax.numpy as jnp
from jax import lax
from jax.experimental import pallas as pl
from jax.experimental.pallas import tpu as pltpu
from jax.experimental.pallas import tpu_sc as plsc

H = 512
B = 8
T = 512
G4 = 4 * H
TBLK = 64

_L = 16
_PIECE = 4096
_FLUSH = 8192
_TOTAL = T * H
_NPIECE = _TOTAL // _PIECE
_OBUF = _FLUSH + _PIECE


def _compact_body(x_hbm, out_hbm, in_buf, out_buf, fill_buf, sems):
    wid = lax.axis_index("s") * 2 + lax.axis_index("c")

    @pl.when(wid < B)
    def _():
        iota = lax.iota(jnp.int32, _L)
        zidx = jnp.zeros((_L,), jnp.int32)
        base = pl.multiple_of(wid * _TOTAL, 8)

        pltpu.sync_copy(x_hbm.at[pl.ds(base, _L)], fill_buf)
        fv_s = jnp.sum(jnp.where(iota == 0, fill_buf[...], 0.0))
        fv = jnp.full((_L,), fv_s, jnp.float32)

        pltpu.make_async_copy(
            x_hbm.at[pl.ds(base, _PIECE)], in_buf.at[0], sems.at[0]
        ).start()
        pltpu.make_async_copy(
            x_hbm.at[pl.ds(pl.multiple_of(base + _PIECE, 8), _PIECE)],
            in_buf.at[1],
            sems.at[1],
        ).start()

        def piece_step(p, carry):
            optr_vec, hptr = carry
            pbuf = lax.rem(p, 2)
            pltpu.make_async_copy(
                x_hbm.at[pl.ds(pl.multiple_of(base + p * _PIECE, 8), _PIECE)],
                in_buf.at[pbuf],
                sems.at[pbuf],
            ).wait()

            def vec_step(i4, ov):
                for u in range(4):
                    v = in_buf[pbuf, pl.ds(i4 * (4 * _L) + u * _L, _L)]
                    m = v != 0.0
                    prefix = plsc.cumsum(m.astype(jnp.int32))
                    idx = jnp.where(m, ov + prefix - 1, 0)
                    plsc.store_scatter(out_buf, [idx], v, mask=m)
                    ov = ov + plsc.all_reduce_population_count(m)
                return ov

            optr_vec = lax.fori_loop(0, _PIECE // (4 * _L), vec_step, optr_vec)

            @pl.when(p + 2 < _NPIECE)
            def _():
                pltpu.make_async_copy(
                    x_hbm.at[pl.ds(pl.multiple_of(base + (p + 2) * _PIECE, 8), _PIECE)],
                    in_buf.at[pbuf],
                    sems.at[pbuf],
                ).start()

            optr_s = jnp.max(optr_vec)
            flush = optr_s >= _FLUSH

            @pl.when(flush)
            def _():
                pltpu.sync_copy(
                    out_buf.at[pl.ds(0, _FLUSH)],
                    out_hbm.at[pl.ds(pl.multiple_of(base + hptr, 8), _FLUSH)],
                )
                t = optr_s - _FLUSH

                def mv(j, c):
                    out_buf[pl.ds(j * _L, _L)] = out_buf[pl.ds(_FLUSH + j * _L, _L)]
                    return c

                lax.fori_loop(0, (t + _L - 1) // _L, mv, 0)

            hptr = jnp.where(flush, hptr + _FLUSH, hptr)
            optr_vec = jnp.where(flush, optr_vec - _FLUSH, optr_vec)
            return optr_vec, hptr

        optr_vec, hptr = lax.fori_loop(
            0, _NPIECE, piece_step, (jnp.zeros((_L,), jnp.int32), jnp.int32(0))
        )
        optr_s = jnp.max(optr_vec)

        @pl.when(hptr < _TOTAL)
        def _():
            def fill1(j, c):
                pos = j * _L + iota
                w = out_buf[pl.ds(j * _L, _L)]
                out_buf[pl.ds(j * _L, _L)] = jnp.where(pos >= optr_s, fv, w)
                return c

            lax.fori_loop(optr_s // _L, _FLUSH // _L, fill1, 0)
            pltpu.sync_copy(
                out_buf.at[pl.ds(0, _FLUSH)],
                out_hbm.at[pl.ds(pl.multiple_of(base + hptr, 8), _FLUSH)],
            )

            @pl.when(hptr + _FLUSH < _TOTAL)
            def _():
                def fill2(j, c):
                    out_buf[pl.ds(j * _L, _L)] = fv
                    return c

                lax.fori_loop(0, _FLUSH // _L, fill2, 0)
                nrem = (_TOTAL - hptr) // _FLUSH

                def fl(r, c):
                    pltpu.sync_copy(
                        out_buf.at[pl.ds(0, _FLUSH)],
                        out_hbm.at[pl.ds(pl.multiple_of(base + hptr + r * _FLUSH, 8), _FLUSH)],
                    )
                    return c

                lax.fori_loop(1, nrem, fl, 0)


_sc_compact = functools.partial(
    pl.kernel,
    out_type=jax.ShapeDtypeStruct((B * _TOTAL,), jnp.float32),
    mesh=plsc.VectorSubcoreMesh(core_axis_name="c", subcore_axis_name="s"),
    scratch_types=[
        pltpu.VMEM((2, _PIECE), jnp.float32),
        pltpu.VMEM((_OBUF,), jnp.float32),
        pltpu.VMEM((_L,), jnp.float32),
        pltpu.SemaphoreType.DMA((2,)),
    ],
    compiler_params=pltpu.CompilerParams(needs_layout_passes=False),
)(_compact_body)


def _sigmoid(x):
    return 1.0 / (1.0 + jnp.exp(-x))


def _tanh(x):
    return 2.0 / (1.0 + jnp.exp(-2.0 * x)) - 1.0


def _proj_body(xt_ref, wih_t_ref, bias_ref, a_ref):
    a_ref[...] = (
        jnp.dot(xt_ref[...], wih_t_ref[...], preferred_element_type=jnp.float32)
        + bias_ref[...]
    )


def _rec_body(a_ref, whh_t_ref, out_ref, h_ref, c_ref):
    blk = pl.program_id(0)

    @pl.when(blk == 0)
    def _():
        h_ref[...] = jnp.zeros_like(h_ref)
        c_ref[...] = jnp.zeros_like(c_ref)

    def step(t, carry):
        h, c = carry
        hb = h.astype(jnp.bfloat16)
        a_t = a_ref[t]

        def gate(k):
            return a_t[:, k * H : (k + 1) * H] + jnp.dot(
                hb,
                whh_t_ref[:, k * H : (k + 1) * H],
                preferred_element_type=jnp.float32,
            )

        i = _sigmoid(gate(0))
        gg = _tanh(gate(2))
        f = _sigmoid(gate(1))
        o = _sigmoid(gate(3))
        c = f * c + i * gg
        h = o * _tanh(c)
        return h, c

    h, c = jax.lax.fori_loop(0, TBLK, step, (h_ref[...], c_ref[...]))
    h_ref[...] = h
    c_ref[...] = c
    out_ref[...] = h


@jax.jit
def kernel(x, W_ih, W_hh, b_ih, b_hh):
    xt = _sc_compact(x.reshape(B * _TOTAL))
    xt = xt.reshape(B, T, H).transpose(1, 0, 2)
    wih_t = W_ih.T
    whh_t = W_hh.T
    bias = (b_ih + b_hh)[None, :]

    a = pl.pallas_call(
        _proj_body,
        grid=(T // TBLK,),
        in_specs=[
            pl.BlockSpec((TBLK * B, H), lambda i: (i, 0)),
            pl.BlockSpec((H, G4), lambda i: (0, 0)),
            pl.BlockSpec((1, G4), lambda i: (0, 0)),
        ],
        out_specs=pl.BlockSpec((TBLK * B, G4), lambda i: (i, 0)),
        out_shape=jax.ShapeDtypeStruct((T * B, G4), jnp.float32),
    )(xt.reshape(T * B, H), wih_t, bias)

    out = pl.pallas_call(
        _rec_body,
        grid=(T // TBLK,),
        in_specs=[
            pl.BlockSpec((TBLK, B, G4), lambda i: (i, 0, 0)),
            pl.BlockSpec((H, G4), lambda i: (0, 0)),
        ],
        out_specs=pl.BlockSpec((B, H), lambda i: (0, 0)),
        out_shape=jax.ShapeDtypeStruct((B, H), jnp.float32),
        scratch_shapes=[
            pltpu.VMEM((B, H), jnp.float32),
            pltpu.VMEM((B, H), jnp.float32),
        ],
    )(a.reshape(T, B, G4), whh_t.astype(jnp.bfloat16))

    return out

# --- scband reference (transcript-rebuilt; emitter-appended) ---
"""Pipeline reference for scband-svfeature-block-38663295598982 (READ-ONLY COPY).

The authoritative reference and input builder live on the scoring server;
editing this copy changes nothing except your own understanding.
"""

import jax, jax.numpy as jnp
import numpy as np

H = 512

def lstm_last(x_seq, W_ih, W_hh, b_ih, b_hh):
    # PyTorch LSTM cell math, gate order i, f, g, o; zero initial states.
    def step(carry, x_t):
        h, c = carry
        gates = x_t @ W_ih.T + b_ih + h @ W_hh.T + b_hh
        i, f, g, o = jnp.split(gates, 4)
        i = jax.nn.sigmoid(i)
        f = jax.nn.sigmoid(f)
        g = jnp.tanh(g)
        o = jax.nn.sigmoid(o)
        c_new = f * c + i * g
        h_new = o * jnp.tanh(c_new)
        return (h_new, c_new), h_new
    init = (jnp.zeros((H,), dtype=x_seq.dtype), jnp.zeros((H,), dtype=x_seq.dtype))
    _, hs = jax.lax.scan(step, init, x_seq)
    # torch: out[:, -1, :] -> last timestep hidden
    return hs[-1]

def setup_inputs(seed: int = 0) -> dict:
    key = jax.random.key(seed)
    k1, k2, k3, k4, k5 = jax.random.split(key, 5)
    b, c, f = 8, 512, 512
    x = jax.random.normal(k1, (b, c, f), dtype=jnp.float32)
    bound = 1.0 / np.sqrt(H)
    W_ih = jax.random.uniform(k2, (4 * H, H), minval=-bound, maxval=bound, dtype=jnp.float32)
    W_hh = jax.random.uniform(k3, (4 * H, H), minval=-bound, maxval=bound, dtype=jnp.float32)
    b_ih = jax.random.uniform(k4, (4 * H,), minval=-bound, maxval=bound, dtype=jnp.float32)
    b_hh = jax.random.uniform(k5, (4 * H,), minval=-bound, maxval=bound, dtype=jnp.float32)
    return {"x": x, "W_ih": W_ih, "W_hh": W_hh, "b_ih": b_ih, "b_hh": b_hh}

def reference(x, W_ih, W_hh, b_ih, b_hh):
    b = x.shape[0]
    outs = []
    for s in range(b):
        flat = x[s].reshape(-1)
        # torch: x_tmp[x_tmp.nonzero(as_tuple=True)].view(-1, 512)
        idx, = jnp.nonzero(flat != 0, size=flat.size)
        vals = flat[idx]
        xt = vals.reshape(-1, H)
        outs.append(lstm_last(xt, W_ih, W_hh, b_ih, b_hh))
    return jnp.stack(outs)

if __name__ == "__main__":
    import jax
    _d = setup_inputs()
    print(jax.jit(kernel)(*tuple(_d.values())))

</pallas_src>

<mosaic_0001>
#map = affine_map<(d0, d1) -> (0)>
module attributes {stable_mosaic.version = 14 : i64} {
  func.func @_compact_body(%arg0: i32, %arg1: i32, %arg2: memref<2097152xf32, #tpu.memory_space<hbm>>, %arg3: memref<2097152xf32, #tpu.memory_space<hbm>>, %arg4: memref<2x4096xf32, #tpu.memory_space<vmem>>, %arg5: memref<12288xf32, #tpu.memory_space<vmem>>, %arg6: memref<16xf32, #tpu.memory_space<vmem>>, %arg7: memref<2x!tpu.dma_semaphore, #tpu.memory_space<semaphore_mem>>) attributes {dimension_semantics = [#tpu.dimension_semantics<core_parallel>, #tpu.dimension_semantics<subcore_parallel>], iteration_bounds = array<i64: 2, 16>, scalar_prefetch = 0 : i64, scratch_operands = 4 : i64, tpu.core_type = #tpu.core_type<sc_vector_subcore>, window_params = [{transform_indices = #map}, {transform_indices = #map}]} {
    %mul3A = arith.constant 2 : i32
    %mul3A_0 = arith.muli %arg1, %mul3A : i32
    %add3A = arith.addi %mul3A_0, %arg0 : i32
    %lt3A = arith.constant 8 : i32
    %lt3A_1 = arith.cmpi slt, %add3A, %lt3A : i32
    %convert_element_type3A = arith.extui %lt3A_1 : i1 to i32
    %cond3A = arith.constant 0 : i32
    %cond3A_2 = arith.cmpi ne, %convert_element_type3A, %cond3A : i32
    scf.if %cond3A_2 {
      %iota3A = tpu.iota {dimensions = array<i32: 0>} : vector<16xi32>
      %broadcast_in_dim3A = arith.constant 0 : i32
      %broadcast_in_dim3A_3 = vector.broadcast %broadcast_in_dim3A : i32 to vector<16xi32>
      %mul3A_4 = arith.constant 262144 : i32
      %mul3A_5 = arith.muli %add3A, %mul3A_4 : i32
      %multiple_of3A = tpu.assume_multiple %mul3A_5, 8 : i32
      "tpu.region"() ({
        %run_scoped3A = tpu.sem_alloc : memref<!tpu.dma_semaphore, #tpu.memory_space<semaphore_mem>>
        %dma_start3A_60 = tpu.memref_slice %arg2[%multiple_of3A] : memref<2097152xf32, #tpu.memory_space<hbm>> -> memref<16xf32, #tpu.memory_space<hbm>>
        %dma_start3A_61 = tpu.memref_slice %arg2[%multiple_of3A] : memref<2097152xf32, #tpu.memory_space<hbm>> -> memref<16xf32, #tpu.memory_space<hbm>>
        tpu.enqueue_dma source(%dma_start3A_61 : memref<16xf32, #tpu.memory_space<hbm>>) target(%arg6 : memref<16xf32, #tpu.memory_space<vmem>>) target_semaphore(%run_scoped3A : memref<!tpu.dma_semaphore, #tpu.memory_space<semaphore_mem>>)
        %dma_wait3A = tpu.memref_slice %arg2[%multiple_of3A] : memref<2097152xf32, #tpu.memory_space<hbm>> -> memref<16xf32, #tpu.memory_space<hbm>>
        %dma_wait3A_62 = tpu.memref_slice %arg2[%multiple_of3A] : memref<2097152xf32, #tpu.memory_space<hbm>> -> memref<16xf32, #tpu.memory_space<hbm>>
        tpu.wait_dma2 semaphore(%run_scoped3A : memref<!tpu.dma_semaphore, #tpu.memory_space<semaphore_mem>>) src(%dma_wait3A_62 : memref<16xf32, #tpu.memory_space<hbm>>) dst(%arg6 : memref<16xf32, #tpu.memory_space<vmem>>)
        tpu.yield
      }) : () -> ()
      %eq3A = arith.constant 0 : i32
      %eq3A_6 = vector.broadcast %eq3A : i32 to vector<16xi32>
      %eq3A_7 = arith.cmpi eq, %iota3A, %eq3A_6 : vector<16xi32>
      %get3A = arith.constant 0 : index
      %get3A_8 = tpu.vector_load %arg6[%get3A] {strides = array<i32>} : memref<16xf32, #tpu.memory_space<vmem>>, vector<16xf32>,
      %jit3A = arith.constant 0.000000e+00 : f32
      %broadcast_in_dim3A_9 = vector.broadcast %jit3A : f32 to vector<16xf32>
      %select_n3A = arith.select %eq3A_7, %get3A_8, %broadcast_in_dim3A_9 : vector<16xi1>, vector<16xf32>
      %reduce_sum3A = arith.constant true
      %reduce_sum3A_10 = vector.broadcast %reduce_sum3A : i1 to vector<16xi1>
      %reduce_sum3A_11 = tpu.scan <sum>, %select_n3A masked %reduce_sum3A_10 : vector<16xf32>, vector<16xi1> -> vector<16xf32>
      %reduce_sum3A_12 = vector.extract %reduce_sum3A_11[15] : f32 from vector<16xf32>
      %broadcast_in_dim3A_13 = vector.broadcast %reduce_sum3A_12 : f32 to vector<16xf32>
      %dma_start3A = arith.constant 0 : i32
      %dma_start3A_14 = arith.constant 0 : i32
      %dma_start3A_15 = arith.constant 0 : i32
      %dma_start3A_16 = tpu.memref_slice %arg4[%dma_start3A, %dma_start3A_15] : memref<2x4096xf32, #tpu.memory_space<vmem>> -> memref<1x4096xf32, #tpu.memory_space<vmem>>
      %dma_start3A_17 = tpu.memref_squeeze %dma_start3A_16 : memref<1x4096xf32, #tpu.memory_space<vmem>> -> memref<4096xf32, #tpu.memory_space<vmem>>
      %dma_start3A_18 = tpu.memref_slice %arg2[%multiple_of3A] : memref<2097152xf32, #tpu.memory_space<hbm>> -> memref<4096xf32, #tpu.memory_space<hbm>>
      %dma_start3A_19 = tpu.memref_slice %arg7[%dma_start3A_14] : memref<2x!tpu.dma_semaphore, #tpu.memory_space<semaphore_mem>> -> memref<1x!tpu.dma_semaphore, #tpu.memory_space<semaphore_mem>>
      %dma_start3A_20 = tpu.memref_squeeze %dma_start3A_19 : memref<1x!tpu.dma_semaphore, #tpu.memory_space<semaphore_mem>> -> memref<!tpu.dma_semaphore, #tpu.memory_space<semaphore_mem>>
      %dma_start3A_21 = arith.constant 0 : i32
      %dma_start3A_22 = tpu.memref_slice %arg4[%dma_start3A, %dma_start3A_21] : memref<2x4096xf32, #tpu.memory_space<vmem>> -> memref<1x4096xf32, #tpu.memory_space<vmem>>
      %dma_start3A_23 = tpu.memref_squeeze %dma_start3A_22 : memref<1x4096xf32, #tpu.memory_space<vmem>> -> memref<4096xf32, #tpu.memory_space<vmem>>
      %dma_start3A_24 = tpu.memref_slice %arg2[%multiple_of3A] : memref<2097152xf32, #tpu.memory_space<hbm>> -> memref<4096xf32, #tpu.memory_space<hbm>>
      tpu.enqueue_dma source(%dma_start3A_24 : memref<4096xf32, #tpu.memory_space<hbm>>) target(%dma_start3A_23 : memref<4096xf32, #tpu.memory_space<vmem>>) target_semaphore(%dma_start3A_20 : memref<!tpu.dma_semaphore, #tpu.memory_space<semaphore_mem>>)
      %add3A_25 = arith.constant 4096 : i32
      %add3A_26 = arith.addi %multiple_of3A, %add3A_25 : i32
      %multiple_of3A_27 = tpu.assume_multiple %add3A_26, 8 : i32
      %dma_start3A_28 = arith.constant 1 : i32
      %dma_start3A_29 = arith.constant 1 : i32
      %dma_start3A_30 = arith.constant 0 : i32
      %dma_start3A_31 = tpu.memref_slice %arg4[%dma_start3A_28, %dma_start3A_30] : memref<2x4096xf32, #tpu.memory_space<vmem>> -> memref<1x4096xf32, #tpu.memory_space<vmem>>
      %dma_start3A_32 = tpu.memref_squeeze %dma_start3A_31 : memref<1x4096xf32, #tpu.memory_space<vmem>> -> memref<4096xf32, #tpu.memory_space<vmem>>
      %dma_start3A_33 = tpu.memref_slice %arg2[%multiple_of3A_27] : memref<2097152xf32, #tpu.memory_space<hbm>> -> memref<4096xf32, #tpu.memory_space<hbm>>
      %dma_start3A_34 = tpu.memref_slice %arg7[%dma_start3A_29] : memref<2x!tpu.dma_semaphore, #tpu.memory_space<semaphore_mem>> -> memref<1x!tpu.dma_semaphore, #tpu.memory_space<semaphore_mem>>
      %dma_start3A_35 = tpu.memref_squeeze %dma_start3A_34 : memref<1x!tpu.dma_semaphore, #tpu.memory_space<semaphore_mem>> -> memref<!tpu.dma_semaphore, #tpu.memory_space<semaphore_mem>>
      %dma_start3A_36 = arith.constant 0 : i32
      %dma_start3A_37 = tpu.memref_slice %arg4[%dma_start3A_28, %dma_start3A_36] : memref<2x4096xf32, #tpu.memory_space<vmem>> -> memref<1x4096xf32, #tpu.memory_space<vmem>>
      %dma_start3A_38 = tpu.memref_squeeze %dma_start3A_37 : memref<1x4096xf32, #tpu.memory_space<vmem>> -> memref<4096xf32, #tpu.memory_space<vmem>>
      %dma_start3A_39 = tpu.memref_slice %arg2[%multiple_of3A_27] : memref<2097152xf32, #tpu.memory_space<hbm>> -> memref<4096xf32, #tpu.memory_space<hbm>>
      tpu.enqueue_dma source(%dma_start3A_39 : memref<4096xf32, #tpu.memory_space<hbm>>) target(%dma_start3A_38 : memref<4096xf32, #tpu.memory_space<vmem>>) target_semaphore(%dma_start3A_35 : memref<!tpu.dma_semaphore, #tpu.memory_space<semaphore_mem>>)
      %broadcast_in_dim3A_40 = arith.constant 0 : i32
      %broadcast_in_dim3A_41 = vector.broadcast %broadcast_in_dim3A_40 : i32 to vector<16xi32>
      %scan3A = arith.constant 0 : i32
      %scan3A_42 = arith.constant 0 : i32
      %scan3A_43 = arith.constant 64 : i32
      %scan3A_44 = arith.addi %scan3A_42, %scan3A_43 : i32
      %scan3A_45 = arith.constant 1 : i32
      %scan3A_46:2 = scf.for %scan3A_60 = %scan3A_42 to %scan3A_44 step %scan3A_45 iter_args(%scan3A_61 = %broadcast_in_dim3A_41, %scan3A_62 = %scan3A) -> (vector<16xi32>, i32)  : i32 {
        %rem3A = arith.constant 2 : i32
        %rem3A_63 = arith.remsi %scan3A_60, %rem3A : i32
        %mul3A_64 = arith.constant 4096 : i32
        %mul3A_65 = arith.muli %scan3A_60, %mul3A_64 : i32
        %add3A_66 = arith.addi %multiple_of3A, %mul3A_65 : i32
        %multiple_of3A_67 = tpu.assume_multiple %add3A_66, 8 : i32
        %dma_wait3A = arith.constant 0 : i32
        %dma_wait3A_68 = tpu.memref_slice %arg4[%rem3A_63, %dma_wait3A] : memref<2x4096xf32, #tpu.memory_space<vmem>> -> memref<1x4096xf32, #tpu.memory_space<vmem>>
        %dma_wait3A_69 = tpu.memref_squeeze %dma_wait3A_68 : memref<1x4096xf32, #tpu.memory_space<vmem>> -> memref<4096xf32, #tpu.memory_space<vmem>>
        %dma_wait3A_70 = tpu.memref_slice %arg2[%multiple_of3A_67] : memref<2097152xf32, #tpu.memory_space<hbm>> -> memref<4096xf32, #tpu.memory_space<hbm>>
        %dma_wait3A_71 = tpu.memref_slice %arg7[%rem3A_63] : memref<2x!tpu.dma_semaphore, #tpu.memory_space<semaphore_mem>> -> memref<1x!tpu.dma_semaphore, #tpu.memory_space<semaphore_mem>>
        %dma_wait3A_72 = tpu.memref_squeeze %dma_wait3A_71 : memref<1x!tpu.dma_semaphore, #tpu.memory_space<semaphore_mem>> -> memref<!tpu.dma_semaphore, #tpu.memory_space<semaphore_mem>>
        %dma_wait3A_73 = arith.constant 0 : i32
        %dma_wait3A_74 = tpu.memref_slice %arg4[%rem3A_63, %dma_wait3A_73] : memref<2x4096xf32, #tpu.memory_space<vmem>> -> memref<1x4096xf32, #tpu.memory_space<vmem>>
        %dma_wait3A_75 = tpu.memref_squeeze %dma_wait3A_74 : memref<1x4096xf32, #tpu.memory_space<vmem>> -> memref<4096xf32, #tpu.memory_space<vmem>>
        %dma_wait3A_76 = tpu.memref_slice %arg2[%multiple_of3A_67] : memref<2097152xf32, #tpu.memory_space<hbm>> -> memref<4096xf32, #tpu.memory_space<hbm>>
        tpu.wait_dma2 semaphore(%dma_wait3A_72 : memref<!tpu.dma_semaphore, #tpu.memory_space<semaphore_mem>>) src(%dma_wait3A_76 : memref<4096xf32, #tpu.memory_space<hbm>>) dst(%dma_wait3A_75 : memref<4096xf32, #tpu.memory_space<vmem>>)
        %scan3A_77 = arith.constant 0 : i32
        %scan3A_78 = arith.constant 64 : i32
        %scan3A_79 = arith.addi %scan3A_77, %scan3A_78 : i32
        %scan3A_80 = arith.constant 1 : i32
        %scan3A_81 = scf.for %scan3A_108 = %scan3A_77 to %scan3A_79 step %scan3A_80 iter_args(%scan3A_109 = %scan3A_61) -> (vector<16xi32>)  : i32 {
          %mul3A_110 = arith.constant 64 : i32
          %mul3A_111 = arith.muli %scan3A_108, %mul3A_110 : i32
          %add3A_112 = arith.constant 0 : i32
          %add3A_113 = arith.addi %mul3A_111, %add3A_112 : i32
          %get3A_114 = arith.index_cast %rem3A_63 : i32 to index
          %get3A_115 = arith.index_cast %add3A_113 : i32 to index
          %get3A_116 = tpu.vector_load %arg4[%get3A_114, %get3A_115] {strides = array<i32>} : memref<2x4096xf32, #tpu.memory_space<vmem>>, vector<16xf32>,
          %ne3A = arith.constant 0.000000e+00 : f32
          %ne3A_117 = vector.broadcast %ne3A : f32 to vector<16xf32>
          %ne3A_118 = arith.cmpf one, %get3A_116, %ne3A_117 : vector<16xf32>
          %convert_element_type3A_119 = arith.extui %ne3A_118 : vector<16xi1> to vector<16xi32>
          %broadcast_in_dim3A_120 = arith.constant true
          %broadcast_in_dim3A_121 = vector.broadcast %broadcast_in_dim3A_120 : i1 to vector<16xi1>
          %masked_cumsum3A = tpu.scan <sum>, %convert_element_type3A_119 masked %broadcast_in_dim3A_121 : vector<16xi32>, vector<16xi1> -> vector<16xi32>
          %add3A_122 = arith.addi %scan3A_109, %masked_cumsum3A : vector<16xi32>
          %sub3A_123 = arith.constant 1 : i32
          %sub3A_124 = vector.broadcast %sub3A_123 : i32 to vector<16xi32>
          %sub3A_125 = arith.subi %add3A_122, %sub3A_124 : vector<16xi32>
          %jit3A_126 = arith.constant 0 : i32
          %broadcast_in_dim3A_127 = vector.broadcast %jit3A_126 : i32 to vector<16xi32>
          %select_n3A_128 = arith.select %ne3A_118, %sub3A_125, %broadcast_in_dim3A_127 : vector<16xi1>, vector<16xi32>
          tpu.vector_store_idx %arg5[%select_n3A_128], %get3A_116 masked %ne3A_118 : memref<12288xf32, #tpu.memory_space<vmem>>[vector<16xi32>], vector<16xf32>, vector<16xi1>
          %all_reduce_population_count3A = tpu.all_reduce %ne3A_118 {dim = 0 : i64, kind = #tpu.reduction_kind<sum>} : vector<16xi1> -> vector<16xi32>
          %add3A_129 = arith.addi %scan3A_109, %all_reduce_population_count3A : vector<16xi32>
          %mul3A_130 = arith.constant 64 : i32
          %mul3A_131 = arith.muli %scan3A_108, %mul3A_130 : i32
          %add3A_132 = arith.constant 16 : i32
          %add3A_133 = arith.addi %mul3A_131, %add3A_132 : i32
          %get3A_134 = arith.index_cast %rem3A_63 : i32 to index
          %get3A_135 = arith.index_cast %add3A_133 : i32 to index
          %get3A_136 = tpu.vector_load %arg4[%get3A_134, %get3A_135] {strides = array<i32>} : memref<2x4096xf32, #tpu.memory_space<vmem>>, vector<16xf32>,
          %ne3A_137 = arith.constant 0.000000e+00 : f32
          %ne3A_138 = vector.broadcast %ne3A_137 : f32 to vector<16xf32>
          %ne3A_139 = arith.cmpf one, %get3A_136, %ne3A_138 : vector<16xf32>
          %convert_element_type3A_140 = arith.extui %ne3A_139 : vector<16xi1> to vector<16xi32>
          %broadcast_in_dim3A_141 = arith.constant true
          %broadcast_in_dim3A_142 = vector.broadcast %broadcast_in_dim3A_141 : i1 to vector<16xi1>
          %masked_cumsum3A_143 = tpu.scan <sum>, %convert_element_type3A_140 masked %broadcast_in_dim3A_142 : vector<16xi32>, vector<16xi1> -> vector<16xi32>
          %add3A_144 = arith.addi %add3A_129, %masked_cumsum3A_143 : vector<16xi32>
          %sub3A_145 = arith.constant 1 : i32
          %sub3A_146 = vector.broadcast %sub3A_145 : i32 to vector<16xi32>
          %sub3A_147 = arith.subi %add3A_144, %sub3A_146 : vector<16xi32>
          %jit3A_148 = arith.constant 0 : i32
          %broadcast_in_dim3A_149 = vector.broadcast %jit3A_148 : i32 to vector<16xi32>
          %select_n3A_150 = arith.select %ne3A_139, %sub3A_147, %broadcast_in_dim3A_149 : vector<16xi1>, vector<16xi32>
          tpu.vector_store_idx %arg5[%select_n3A_150], %get3A_136 masked %ne3A_139 : memref<12288xf32, #tpu.memory_space<vmem>>[vector<16xi32>], vector<16xf32>, vector<16xi1>
          %all_reduce_population_count3A_151 = tpu.all_reduce %ne3A_139 {dim = 0 : i64, kind = #tpu.reduction_kind<sum>} : vector<16xi1> -> vector<16xi32>
          %add3A_152 = arith.addi %add3A_129, %all_reduce_population_count3A_151 : vector<16xi32>
          %mul3A_153 = arith.constant 64 : i32
          %mul3A_154 = arith.muli %scan3A_108, %mul3A_153 : i32
          %add3A_155 = arith.constant 32 : i32
          %add3A_156 = arith.addi %mul3A_154, %add3A_155 : i32
          %get3A_157 = arith.index_cast %rem3A_63 : i32 to index
          %get3A_158 = arith.index_cast %add3A_156 : i32 to index
          %get3A_159 = tpu.vector_load %arg4[%get3A_157, %get3A_158] {strides = array<i32>} : memref<2x4096xf32, #tpu.memory_space<vmem>>, vector<16xf32>,
          %ne3A_160 = arith.constant 0.000000e+00 : f32
          %ne3A_161 = vector.broadcast %ne3A_160 : f32 to vector<16xf32>
          %ne3A_162 = arith.cmpf one, %get3A_159, %ne3A_161 : vector<16xf32>
          %convert_element_type3A_163 = arith.extui %ne3A_162 : vector<16xi1> to vector<16xi32>
          %broadcast_in_dim3A_164 = arith.constant true
          %broadcast_in_dim3A_165 = vector.broadcast %broadcast_in_dim3A_164 : i1 to vector<16xi1>
          %masked_cumsum3A_166 = tpu.scan <sum>, %convert_element_type3A_163 masked %broadcast_in_dim3A_165 : vector<16xi32>, vector<16xi1> -> vector<16xi32>
          %add3A_167 = arith.addi %add3A_152, %masked_cumsum3A_166 : vector<16xi32>
          %sub3A_168 = arith.constant 1 : i32
          %sub3A_169 = vector.broadcast %sub3A_168 : i32 to vector<16xi32>
          %sub3A_170 = arith.subi %add3A_167, %sub3A_169 : vector<16xi32>
          %jit3A_171 = arith.constant 0 : i32
          %broadcast_in_dim3A_172 = vector.broadcast %jit3A_171 : i32 to vector<16xi32>
          %select_n3A_173 = arith.select %ne3A_162, %sub3A_170, %broadcast_in_dim3A_172 : vector<16xi1>, vector<16xi32>
          tpu.vector_store_idx %arg5[%select_n3A_173], %get3A_159 masked %ne3A_162 : memref<12288xf32, #tpu.memory_space<vmem>>[vector<16xi32>], vector<16xf32>, vector<16xi1>
          %all_reduce_population_count3A_174 = tpu.all_reduce %ne3A_162 {dim = 0 : i64, kind = #tpu.reduction_kind<sum>} : vector<16xi1> -> vector<16xi32>
          %add3A_175 = arith.addi %add3A_152, %all_reduce_population_count3A_174 : vector<16xi32>
          %mul3A_176 = arith.constant 64 : i32
          %mul3A_177 = arith.muli %scan3A_108, %mul3A_176 : i32
          %add3A_178 = arith.constant 48 : i32
          %add3A_179 = arith.addi %mul3A_177, %add3A_178 : i32
          %get3A_180 = arith.index_cast %rem3A_63 : i32 to index
          %get3A_181 = arith.index_cast %add3A_179 : i32 to index
          %get3A_182 = tpu.vector_load %arg4[%get3A_180, %get3A_181] {strides = array<i32>} : memref<2x4096xf32, #tpu.memory_space<vmem>>, vector<16xf32>,
          %ne3A_183 = arith.constant 0.000000e+00 : f32
          %ne3A_184 = vector.broadcast %ne3A_183 : f32 to vector<16xf32>
          %ne3A_185 = arith.cmpf one, %get3A_182, %ne3A_184 : vector<16xf32>
          %convert_element_type3A_186 = arith.extui %ne3A_185 : vector<16xi1> to vector<16xi32>
          %broadcast_in_dim3A_187 = arith.constant true
          %broadcast_in_dim3A_188 = vector.broadcast %broadcast_in_dim3A_187 : i1 to vector<16xi1>
          %masked_cumsum3A_189 = tpu.scan <sum>, %convert_element_type3A_186 masked %broadcast_in_dim3A_188 : vector<16xi32>, vector<16xi1> -> vector<16xi32>
          %add3A_190 = arith.addi %add3A_175, %masked_cumsum3A_189 : vector<16xi32>
          %sub3A_191 = arith.constant 1 : i32
          %sub3A_192 = vector.broadcast %sub3A_191 : i32 to vector<16xi32>
          %sub3A_193 = arith.subi %add3A_190, %sub3A_192 : vector<16xi32>
          %jit3A_194 = arith.constant 0 : i32
          %broadcast_in_dim3A_195 = vector.broadcast %jit3A_194 : i32 to vector<16xi32>
          %select_n3A_196 = arith.select %ne3A_185, %sub3A_193, %broadcast_in_dim3A_195 : vector<16xi1>, vector<16xi32>
          tpu.vector_store_idx %arg5[%select_n3A_196], %get3A_182 masked %ne3A_185 : memref<12288xf32, #tpu.memory_space<vmem>>[vector<16xi32>], vector<16xf32>, vector<16xi1>
          %all_reduce_population_count3A_197 = tpu.all_reduce %ne3A_185 {dim = 0 : i64, kind = #tpu.reduction_kind<sum>} : vector<16xi1> -> vector<16xi32>
          %add3A_198 = arith.addi %add3A_175, %all_reduce_population_count3A_197 : vector<16xi32>
          scf.yield %add3A_198 : vector<16xi32>
        }
        %scan3A_82 = arith.constant 64 : i32
        %add3A_83 = arith.constant 2 : i32
        %add3A_84 = arith.addi %scan3A_60, %add3A_83 : i32
        %lt3A_85 = arith.constant 64 : i32
        %lt3A_86 = arith.cmpi slt, %add3A_84, %lt3A_85 : i32
        %convert_element_type3A_87 = arith.extui %lt3A_86 : i1 to i32
        %cond3A_88 = arith.constant 0 : i32
        %cond3A_89 = arith.cmpi ne, %convert_element_type3A_87, %cond3A_88 : i32
        scf.if %cond3A_89 {
          %add3A_108 = arith.constant 2 : i32
          %add3A_109 = arith.addi %scan3A_60, %add3A_108 : i32
          %mul3A_110 = arith.constant 4096 : i32
          %mul3A_111 = arith.muli %add3A_109, %mul3A_110 : i32
          %add3A_112 = arith.addi %multiple_of3A, %mul3A_111 : i32
          %multiple_of3A_113 = tpu.assume_multiple %add3A_112, 8 : i32
          %dma_start3A_114 = arith.constant 0 : i32
          %dma_start3A_115 = tpu.memref_slice %arg4[%rem3A_63, %dma_start3A_114] : memref<2x4096xf32, #tpu.memory_space<vmem>> -> memref<1x4096xf32, #tpu.memory_space<vmem>>
          %dma_start3A_116 = tpu.memref_squeeze %dma_start3A_115 : memref<1x4096xf32, #tpu.memory_space<vmem>> -> memref<4096xf32, #tpu.memory_space<vmem>>
          %dma_start3A_117 = tpu.memref_slice %arg2[%multiple_of3A_113] : memref<2097152xf32, #tpu.memory_space<hbm>> -> memref<4096xf32, #tpu.memory_space<hbm>>
          %dma_start3A_118 = tpu.memref_slice %arg7[%rem3A_63] : memref<2x!tpu.dma_semaphore, #tpu.memory_space<semaphore_mem>> -> memref<1x!tpu.dma_semaphore, #tpu.memory_space<semaphore_mem>>
          %dma_start3A_119 = tpu.memref_squeeze %dma_start3A_118 : memref<1x!tpu.dma_semaphore, #tpu.memory_space<semaphore_mem>> -> memref<!tpu.dma_semaphore, #tpu.memory_space<semaphore_mem>>
          %dma_start3A_120 = arith.constant 0 : i32
          %dma_start3A_121 = tpu.memref_slice %arg4[%rem3A_63, %dma_start3A_120] : memref<2x4096xf32, #tpu.memory_space<vmem>> -> memref<1x4096xf32, #tpu.memory_space<vmem>>
          %dma_start3A_122 = tpu.memref_squeeze %dma_start3A_121 : memref<1x4096xf32, #tpu.memory_space<vmem>> -> memref<4096xf32, #tpu.memory_space<vmem>>
          %dma_start3A_123 = tpu.memref_slice %arg2[%multiple_of3A_113] : memref<2097152xf32, #tpu.memory_space<hbm>> -> memref<4096xf32, #tpu.memory_space<hbm>>
          tpu.enqueue_dma source(%dma_start3A_123 : memref<4096xf32, #tpu.memory_space<hbm>>) target(%dma_start3A_122 : memref<4096xf32, #tpu.memory_space<vmem>>) target_semaphore(%dma_start3A_119 : memref<!tpu.dma_semaphore, #tpu.memory_space<semaphore_mem>>)
        } else {
        }
        %reduce_max3A_90 = arith.constant true
        %reduce_max3A_91 = vector.broadcast %reduce_max3A_90 : i1 to vector<16xi1>
        %reduce_max3A_92 = arith.constant -2147483648 : i32
        %reduce_max3A_93 = vector.broadcast %reduce_max3A_92 : i32 to vector<16xi32>
        %reduce_max3A_94 = arith.xori %scan3A_81, %reduce_max3A_93 : vector<16xi32>
        %reduce_max3A_95 = tpu.scan <max>, %reduce_max3A_94 masked %reduce_max3A_91 : vector<16xi32>, vector<16xi1> -> vector<16xi32>
        %reduce_max3A_96 = arith.xori %reduce_max3A_95, %reduce_max3A_93 : vector<16xi32>
        %reduce_max3A_97 = vector.extract %reduce_max3A_96[15] : i32 from vector<16xi32>
        %ge3A = arith.constant 8192 : i32
        %ge3A_98 = arith.cmpi sge, %reduce_max3A_97, %ge3A : i32
        %convert_element_type3A_99 = arith.extui %ge3A_98 : i1 to i32
        %cond3A_100 = arith.constant 0 : i32
        %cond3A_101 = arith.cmpi ne, %convert_element_type3A_99, %cond3A_100 : i32
        scf.if %cond3A_101 {
          %add3A_108 = arith.addi %multiple_of3A, %scan3A_62 : i32
          %multiple_of3A_109 = tpu.assume_multiple %add3A_108, 8 : i32
          "tpu.region"() ({
            %run_scoped3A = tpu.sem_alloc : memref<!tpu.dma_semaphore, #tpu.memory_space<semaphore_mem>>
            %dma_start3A_145 = arith.constant 0 : i32
            %dma_start3A_146 = tpu.memref_slice %arg5[%dma_start3A_145] : memref<12288xf32, #tpu.memory_space<vmem>> -> memref<8192xf32, #tpu.memory_space<vmem>>
            %dma_start3A_147 = tpu.memref_slice %arg3[%multiple_of3A_109] : memref<2097152xf32, #tpu.memory_space<hbm>> -> memref<8192xf32, #tpu.memory_space<hbm>>
            %dma_start3A_148 = tpu.memref_slice %arg3[%multiple_of3A_109] : memref<2097152xf32, #tpu.memory_space<hbm>> -> memref<8192xf32, #tpu.memory_space<hbm>>
            %dma_start3A_149 = arith.constant 0 : i32
            %dma_start3A_150 = tpu.memref_slice %arg5[%dma_start3A_149] : memref<12288xf32, #tpu.memory_space<vmem>> -> memref<8192xf32, #tpu.memory_space<vmem>>
            tpu.enqueue_dma source(%dma_start3A_150 : memref<8192xf32, #tpu.memory_space<vmem>>) target(%dma_start3A_148 : memref<8192xf32, #tpu.memory_space<hbm>>) target_semaphore(%run_scoped3A : memref<!tpu.dma_semaphore, #tpu.memory_space<semaphore_mem>>)
            %dma_wait3A_151 = arith.constant 0 : i32
            %dma_wait3A_152 = tpu.memref_slice %arg5[%dma_wait3A_151] : memref<12288xf32, #tpu.memory_space<vmem>> -> memref<8192xf32, #tpu.memory_space<vmem>>
            %dma_wait3A_153 = tpu.memref_slice %arg3[%multiple_of3A_109] : memref<2097152xf32, #tpu.memory_space<hbm>> -> memref<8192xf32, #tpu.memory_space<hbm>>
            %dma_wait3A_154 = tpu.memref_slice %arg3[%multiple_of3A_109] : memref<2097152xf32, #tpu.memory_space<hbm>> -> memref<8192xf32, #tpu.memory_space<hbm>>
            %dma_wait3A_155 = arith.constant 0 : i32
            %dma_wait3A_156 = tpu.memref_slice %arg5[%dma_wait3A_155] : memref<12288xf32, #tpu.memory_space<vmem>> -> memref<8192xf32, #tpu.memory_space<vmem>>
            tpu.wait_dma2 semaphore(%run_scoped3A : memref<!tpu.dma_semaphore, #tpu.memory_space<semaphore_mem>>) src(%dma_wait3A_156 : memref<8192xf32, #tpu.memory_space<vmem>>) dst(%dma_wait3A_154 : memref<8192xf32, #tpu.memory_space<hbm>>)
            tpu.yield
          }) : () -> ()
          %sub3A_110 = arith.constant 8192 : i32
          %sub3A_111 = arith.subi %reduce_max3A_97, %sub3A_110 : i32
          %add3A_112 = arith.constant 16 : i32
          %add3A_113 = arith.addi %sub3A_111, %add3A_112 : i32
          %sub3A_114 = arith.constant 1 : i32
          %sub3A_115 = arith.subi %add3A_113, %sub3A_114 : i32
          %jit3A_116 = arith.constant 16 : i32
          %div3A = arith.divsi %sub3A_115, %jit3A_116 : i32
          %sign3A = arith.constant 0 : i32
          %sign3A_117 = arith.cmpi sgt, %sub3A_115, %sign3A : i32
          %sign3A_118 = arith.extui %sign3A_117 : i1 to i32
          %sign3A_119 = arith.constant 0 : i32
          %sign3A_120 = arith.cmpi slt, %sub3A_115, %sign3A_119 : i32
          %sign3A_121 = arith.extui %sign3A_120 : i1 to i32
          %sign3A_122 = arith.subi %sign3A_118, %sign3A_121 : i32
          %sign3A_123 = arith.constant 0 : i32
          %sign3A_124 = arith.cmpi sgt, %jit3A_116, %sign3A_123 : i32
          %sign3A_125 = arith.extui %sign3A_124 : i1 to i32
          %sign3A_126 = arith.constant 0 : i32
          %sign3A_127 = arith.cmpi slt, %jit3A_116, %sign3A_126 : i32
          %sign3A_128 = arith.extui %sign3A_127 : i1 to i32
          %sign3A_129 = arith.subi %sign3A_125, %sign3A_128 : i32
          %ne3A = arith.cmpi ne, %sign3A_122, %sign3A_129 : i32
          %rem3A_130 = arith.remsi %sub3A_115, %jit3A_116 : i32
          %ne3A_131 = arith.constant 0 : i32
          %ne3A_132 = arith.cmpi ne, %rem3A_130, %ne3A_131 : i32
          %and3A = arith.andi %ne3A, %ne3A_132 : i1
          %sub3A_133 = arith.constant 1 : i32
          %sub3A_134 = arith.subi %div3A, %sub3A_133 : i32
          %select_n3A_135 = arith.select %and3A, %sub3A_134, %div3A : i32
          %while3A = arith.constant 0 : i32
          %while3A_136 = arith.constant 0 : i32
          %while3A_137 = arith.subi %select_n3A_135, %while3A_136 : i32
          %while3A_138 = arith.addi %while3A_136, %while3A_137 : i32
          %while3A_139 = arith.constant 1 : i32
          %while3A_140 = arith.divsi %while3A_137, %while3A_139 : i32
          %while3A_141 = arith.muli %while3A_140, %while3A_139 : i32
          %while3A_142 = arith.addi %while3A_136, %while3A_141 : i32
          %while3A_143 = arith.constant 1 : i32
          scf.for %while3A_145 = %while3A_136 to %while3A_142 step %while3A_143  : i32 {
            %mul3A_146 = arith.constant 16 : i32
            %mul3A_147 = arith.muli %while3A_145, %mul3A_146 : i32
            %add3A_148 = arith.constant 8192 : i32
            %add3A_149 = arith.addi %add3A_148, %mul3A_147 : i32
            %get3A_150 = arith.index_cast %add3A_149 : i32 to index
            %get3A_151 = tpu.vector_load %arg5[%get3A_150] {strides = array<i32>} : memref<12288xf32, #tpu.memory_space<vmem>>, vector<16xf32>,
            %mul3A_152 = arith.constant 16 : i32
            %mul3A_153 = arith.muli %while3A_145, %mul3A_152 : i32
            %swap3A = arith.index_cast %mul3A_153 : i32 to index
            %swap3A_154 = tpu.vector_load %arg5[%swap3A] {strides = array<i32>} : memref<12288xf32, #tpu.memory_space<vmem>>, vector<16xf32>,
            tpu.vector_store %arg5[%swap3A], %get3A_151 {strides = array<i32>} : memref<12288xf32, #tpu.memory_space<vmem>>, vector<16xf32>,
          }
          %while3A_144 = arith.constant 1 : i32
          scf.for %while3A_145 = %while3A_142 to %while3A_138 step %while3A_144  : i32 {
            %mul3A_146 = arith.constant 16 : i32
            %mul3A_147 = arith.muli %while3A_145, %mul3A_146 : i32
            %add3A_148 = arith.constant 8192 : i32
            %add3A_149 = arith.addi %add3A_148, %mul3A_147 : i32
            %get3A_150 = arith.index_cast %add3A_149 : i32 to index
            %get3A_151 = tpu.vector_load %arg5[%get3A_150] {strides = array<i32>} : memref<12288xf32, #tpu.memory_space<vmem>>, vector<16xf32>,
            %mul3A_152 = arith.constant 16 : i32
            %mul3A_153 = arith.muli %while3A_145, %mul3A_152 : i32
            %swap3A = arith.index_cast %mul3A_153 : i32 to index
            %swap3A_154 = tpu.vector_load %arg5[%swap3A] {strides = array<i32>} : memref<12288xf32, #tpu.memory_space<vmem>>, vector<16xf32>,
            tpu.vector_store %arg5[%swap3A], %get3A_151 {strides = array<i32>} : memref<12288xf32, #tpu.memory_space<vmem>>, vector<16xf32>,
          }
        } else {
        }
        %add3A_102 = arith.constant 8192 : i32
        %add3A_103 = arith.addi %scan3A_62, %add3A_102 : i32
        %select_n3A_104 = arith.select %ge3A_98, %add3A_103, %scan3A_62 : i32
        %sub3A = arith.constant 8192 : i32
        %sub3A_105 = vector.broadcast %sub3A : i32 to vector<16xi32>
        %sub3A_106 = arith.subi %scan3A_81, %sub3A_105 : vector<16xi32>
        %select_n3A_107 = arith.select %ge3A_98, %sub3A_106, %scan3A_81 : vector<16xi32>
        scf.yield %select_n3A_107, %select_n3A_104 : vector<16xi32>, i32
      }
      %scan3A_47 = arith.constant 64 : i32
      %reduce_max3A = arith.constant true
      %reduce_max3A_48 = vector.broadcast %reduce_max3A : i1 to vector<16xi1>
      %reduce_max3A_49 = arith.constant -2147483648 : i32
      %reduce_max3A_50 = vector.broadcast %reduce_max3A_49 : i32 to vector<16xi32>
      %reduce_max3A_51 = arith.xori %scan3A_46#0, %reduce_max3A_50 : vector<16xi32>
      %reduce_max3A_52 = tpu.scan <max>, %reduce_max3A_51 masked %reduce_max3A_48 : vector<16xi32>, vector<16xi1> -> vector<16xi32>
      %reduce_max3A_53 = arith.xori %reduce_max3A_52, %reduce_max3A_50 : vector<16xi32>
      %reduce_max3A_54 = vector.extract %reduce_max3A_53[15] : i32 from vector<16xi32>
      %lt3A_55 = arith.constant 262144 : i32
      %lt3A_56 = arith.cmpi slt, %scan3A_46#1, %lt3A_55 : i32
      %convert_element_type3A_57 = arith.extui %lt3A_56 : i1 to i32
      %cond3A_58 = arith.constant 0 : i32
      %cond3A_59 = arith.cmpi ne, %convert_element_type3A_57, %cond3A_58 : i32
      scf.if %cond3A_59 {
        %jit3A_60 = arith.constant 16 : i32
        %div3A = arith.divsi %reduce_max3A_54, %jit3A_60 : i32
        %sign3A = arith.constant 0 : i32
        %sign3A_61 = arith.cmpi sgt, %reduce_max3A_54, %sign3A : i32
        %sign3A_62 = arith.extui %sign3A_61 : i1 to i32
        %sign3A_63 = arith.constant 0 : i32
        %sign3A_64 = arith.cmpi slt, %reduce_max3A_54, %sign3A_63 : i32
        %sign3A_65 = arith.extui %sign3A_64 : i1 to i32
        %sign3A_66 = arith.subi %sign3A_62, %sign3A_65 : i32
        %sign3A_67 = arith.constant 0 : i32
        %sign3A_68 = arith.cmpi sgt, %jit3A_60, %sign3A_67 : i32
        %sign3A_69 = arith.extui %sign3A_68 : i1 to i32
        %sign3A_70 = arith.constant 0 : i32
        %sign3A_71 = arith.cmpi slt, %jit3A_60, %sign3A_70 : i32
        %sign3A_72 = arith.extui %sign3A_71 : i1 to i32
        %sign3A_73 = arith.subi %sign3A_69, %sign3A_72 : i32
        %ne3A = arith.cmpi ne, %sign3A_66, %sign3A_73 : i32
        %rem3A = arith.remsi %reduce_max3A_54, %jit3A_60 : i32
        %ne3A_74 = arith.constant 0 : i32
        %ne3A_75 = arith.cmpi ne, %rem3A, %ne3A_74 : i32
        %and3A = arith.andi %ne3A, %ne3A_75 : i1
        %sub3A = arith.constant 1 : i32
        %sub3A_76 = arith.subi %div3A, %sub3A : i32
        %select_n3A_77 = arith.select %and3A, %sub3A_76, %div3A : i32
        %while3A = arith.constant 0 : i32
        %while3A_78 = arith.constant 512 : i32
        %while3A_79 = arith.subi %while3A_78, %select_n3A_77 : i32
        %while3A_80 = arith.addi %select_n3A_77, %while3A_79 : i32
        %while3A_81 = arith.constant 1 : i32
        %while3A_82 = arith.divsi %while3A_79, %while3A_81 : i32
        %while3A_83 = arith.muli %while3A_82, %while3A_81 : i32
        %while3A_84 = arith.addi %select_n3A_77, %while3A_83 : i32
        %while3A_85 = arith.constant 1 : i32
        scf.for %while3A_96 = %select_n3A_77 to %while3A_84 step %while3A_85  : i32 {
          %mul3A_97 = arith.constant 16 : i32
          %mul3A_98 = arith.muli %while3A_96, %mul3A_97 : i32
          %add3A_99 = vector.broadcast %mul3A_98 : i32 to vector<16xi32>
          %add3A_100 = arith.addi %add3A_99, %iota3A : vector<16xi32>
          %mul3A_101 = arith.constant 16 : i32
          %mul3A_102 = arith.muli %while3A_96, %mul3A_101 : i32
          %get3A_103 = arith.index_cast %mul3A_102 : i32 to index
          %get3A_104 = tpu.vector_load %arg5[%get3A_103] {strides = array<i32>} : memref<12288xf32, #tpu.memory_space<vmem>>, vector<16xf32>,
          %ge3A = vector.broadcast %reduce_max3A_54 : i32 to vector<16xi32>
          %ge3A_105 = arith.cmpi sge, %add3A_100, %ge3A : vector<16xi32>
          %select_n3A_106 = arith.select %ge3A_105, %broadcast_in_dim3A_13, %get3A_104 : vector<16xi1>, vector<16xf32>
          %mul3A_107 = arith.constant 16 : i32
          %mul3A_108 = arith.muli %while3A_96, %mul3A_107 : i32
          %swap3A = arith.index_cast %mul3A_108 : i32 to index
          %swap3A_109 = tpu.vector_load %arg5[%swap3A] {strides = array<i32>} : memref<12288xf32, #tpu.memory_space<vmem>>, vector<16xf32>,
          tpu.vector_store %arg5[%swap3A], %select_n3A_106 {strides = array<i32>} : memref<12288xf32, #tpu.memory_space<vmem>>, vector<16xf32>,
        }
        %while3A_86 = arith.constant 1 : i32
        scf.for %while3A_96 = %while3A_84 to %while3A_80 step %while3A_86  : i32 {
          %mul3A_97 = arith.constant 16 : i32
          %mul3A_98 = arith.muli %while3A_96, %mul3A_97 : i32
          %add3A_99 = vector.broadcast %mul3A_98 : i32 to vector<16xi32>
          %add3A_100 = arith.addi %add3A_99, %iota3A : vector<16xi32>
          %mul3A_101 = arith.constant 16 : i32
          %mul3A_102 = arith.muli %while3A_96, %mul3A_101 : i32
          %get3A_103 = arith.index_cast %mul3A_102 : i32 to index
          %get3A_104 = tpu.vector_load %arg5[%get3A_103] {strides = array<i32>} : memref<12288xf32, #tpu.memory_space<vmem>>, vector<16xf32>,
          %ge3A = vector.broadcast %reduce_max3A_54 : i32 to vector<16xi32>
          %ge3A_105 = arith.cmpi sge, %add3A_100, %ge3A : vector<16xi32>
          %select_n3A_106 = arith.select %ge3A_105, %broadcast_in_dim3A_13, %get3A_104 : vector<16xi1>, vector<16xf32>
          %mul3A_107 = arith.constant 16 : i32
          %mul3A_108 = arith.muli %while3A_96, %mul3A_107 : i32
          %swap3A = arith.index_cast %mul3A_108 : i32 to index
          %swap3A_109 = tpu.vector_load %arg5[%swap3A] {strides = array<i32>} : memref<12288xf32, #tpu.memory_space<vmem>>, vector<16xf32>,
          tpu.vector_store %arg5[%swap3A], %select_n3A_106 {strides = array<i32>} : memref<12288xf32, #tpu.memory_space<vmem>>, vector<16xf32>,
        }
        %add3A_87 = arith.addi %multiple_of3A, %scan3A_46#1 : i32
        %multiple_of3A_88 = tpu.assume_multiple %add3A_87, 8 : i32
        "tpu.region"() ({
          %run_scoped3A = tpu.sem_alloc : memref<!tpu.dma_semaphore, #tpu.memory_space<semaphore_mem>>
          %dma_start3A_96 = arith.constant 0 : i32
          %dma_start3A_97 = tpu.memref_slice %arg5[%dma_start3A_96] : memref<12288xf32, #tpu.memory_space<vmem>> -> memref<8192xf32, #tpu.memory_space<vmem>>
          %dma_start3A_98 = tpu.memref_slice %arg3[%multiple_of3A_88] : memref<2097152xf32, #tpu.memory_space<hbm>> -> memref<8192xf32, #tpu.memory_space<hbm>>
          %dma_start3A_99 = tpu.memref_slice %arg3[%multiple_of3A_88] : memref<2097152xf32, #tpu.memory_space<hbm>> -> memref<8192xf32, #tpu.memory_space<hbm>>
          %dma_start3A_100 = arith.constant 0 : i32
          %dma_start3A_101 = tpu.memref_slice %arg5[%dma_start3A_100] : memref<12288xf32, #tpu.memory_space<vmem>> -> memref<8192xf32, #tpu.memory_space<vmem>>
          tpu.enqueue_dma source(%dma_start3A_101 : memref<8192xf32, #tpu.memory_space<vmem>>) target(%dma_start3A_99 : memref<8192xf32, #tpu.memory_space<hbm>>) target_semaphore(%run_scoped3A : memref<!tpu.dma_semaphore, #tpu.memory_space<semaphore_mem>>)
          %dma_wait3A = arith.constant 0 : i32
          %dma_wait3A_102 = tpu.memref_slice %arg5[%dma_wait3A] : memref<12288xf32, #tpu.memory_space<vmem>> -> memref<8192xf32, #tpu.memory_space<vmem>>
          %dma_wait3A_103 = tpu.memref_slice %arg3[%multiple_of3A_88] : memref<2097152xf32, #tpu.memory_space<hbm>> -> memref<8192xf32, #tpu.memory_space<hbm>>
          %dma_wait3A_104 = tpu.memref_slice %arg3[%multiple_of3A_88] : memref<2097152xf32, #tpu.memory_space<hbm>> -> memref<8192xf32, #tpu.memory_space<hbm>>
          %dma_wait3A_105 = arith.constant 0 : i32
          %dma_wait3A_106 = tpu.memref_slice %arg5[%dma_wait3A_105] : memref<12288xf32, #tpu.memory_space<vmem>> -> memref<8192xf32, #tpu.memory_space<vmem>>
          tpu.wait_dma2 semaphore(%run_scoped3A : memref<!tpu.dma_semaphore, #tpu.memory_space<semaphore_mem>>) src(%dma_wait3A_106 : memref<8192xf32, #tpu.memory_space<vmem>>) dst(%dma_wait3A_104 : memref<8192xf32, #tpu.memory_space<hbm>>)
          tpu.yield
        }) : () -> ()
        %add3A_89 = arith.constant 8192 : i32
        %add3A_90 = arith.addi %scan3A_46#1, %add3A_89 : i32
        %lt3A_91 = arith.constant 262144 : i32
        %lt3A_92 = arith.cmpi slt, %add3A_90, %lt3A_91 : i32
        %convert_element_type3A_93 = arith.extui %lt3A_92 : i1 to i32
        %cond3A_94 = arith.constant 0 : i32
        %cond3A_95 = arith.cmpi ne, %convert_element_type3A_93, %cond3A_94 : i32
        scf.if %cond3A_95 {
          %scan3A_96 = arith.constant 0 : i32
          %scan3A_97 = arith.constant 0 : i32
          %scan3A_98 = arith.constant 512 : i32
          %scan3A_99 = arith.addi %scan3A_97, %scan3A_98 : i32
          %scan3A_100 = arith.constant 1 : i32
          scf.for %scan3A_138 = %scan3A_97 to %scan3A_99 step %scan3A_100  : i32 {
            %mul3A_139 = arith.constant 16 : i32
            %mul3A_140 = arith.muli %scan3A_138, %mul3A_139 : i32
            %swap3A = arith.index_cast %mul3A_140 : i32 to index
            %swap3A_141 = tpu.vector_load %arg5[%swap3A] {strides = array<i32>} : memref<12288xf32, #tpu.memory_space<vmem>>, vector<16xf32>,
            tpu.vector_store %arg5[%swap3A], %broadcast_in_dim3A_13 {strides = array<i32>} : memref<12288xf32, #tpu.memory_space<vmem>>, vector<16xf32>,
          }
          %scan3A_101 = arith.constant 512 : i32
          %sub3A_102 = arith.constant 262144 : i32
          %sub3A_103 = arith.subi %sub3A_102, %scan3A_46#1 : i32
          %jit3A_104 = arith.constant 8192 : i32
          %div3A_105 = arith.divsi %sub3A_103, %jit3A_104 : i32
          %sign3A_106 = arith.constant 0 : i32
          %sign3A_107 = arith.cmpi sgt, %sub3A_103, %sign3A_106 : i32
          %sign3A_108 = arith.extui %sign3A_107 : i1 to i32
          %sign3A_109 = arith.constant 0 : i32
          %sign3A_110 = arith.cmpi slt, %sub3A_103, %sign3A_109 : i32
          %sign3A_111 = arith.extui %sign3A_110 : i1 to i32
          %sign3A_112 = arith.subi %sign3A_108, %sign3A_111 : i32
          %sign3A_113 = arith.constant 0 : i32
          %sign3A_114 = arith.cmpi sgt, %jit3A_104, %sign3A_113 : i32
          %sign3A_115 = arith.extui %sign3A_114 : i1 to i32
          %sign3A_116 = arith.constant 0 : i32
          %sign3A_117 = arith.cmpi slt, %jit3A_104, %sign3A_116 : i32
          %sign3A_118 = arith.extui %sign3A_117 : i1 to i32
          %sign3A_119 = arith.subi %sign3A_115, %sign3A_118 : i32
          %ne3A_120 = arith.cmpi ne, %sign3A_112, %sign3A_119 : i32
          %rem3A_121 = arith.remsi %sub3A_103, %jit3A_104 : i32
          %ne3A_122 = arith.constant 0 : i32
          %ne3A_123 = arith.cmpi ne, %rem3A_121, %ne3A_122 : i32
          %and3A_124 = arith.andi %ne3A_120, %ne3A_123 : i1
          %sub3A_125 = arith.constant 1 : i32
          %sub3A_126 = arith.subi %div3A_105, %sub3A_125 : i32
          %select_n3A_127 = arith.select %and3A_124, %sub3A_126, %div3A_105 : i32
          %while3A_128 = arith.constant 0 : i32
          %while3A_129 = arith.constant 1 : i32
          %while3A_130 = arith.subi %select_n3A_127, %while3A_129 : i32
          %while3A_131 = arith.addi %while3A_129, %while3A_130 : i32
          %while3A_132 = arith.constant 1 : i32
          %while3A_133 = arith.divsi %while3A_130, %while3A_132 : i32
          %while3A_134 = arith.muli %while3A_133, %while3A_132 : i32
          %while3A_135 = arith.addi %while3A_129, %while3A_134 : i32
          %while3A_136 = arith.constant 1 : i32
          scf.for %while3A_138 = %while3A_129 to %while3A_135 step %while3A_136  : i32 {
            %add3A_139 = arith.addi %multiple_of3A, %scan3A_46#1 : i32
            %mul3A_140 = arith.constant 8192 : i32
            %mul3A_141 = arith.muli %while3A_138, %mul3A_140 : i32
            %add3A_142 = arith.addi %add3A_139, %mul3A_141 : i32
            %multiple_of3A_143 = tpu.assume_multiple %add3A_142, 8 : i32
            "tpu.region"() ({
              %run_scoped3A = tpu.sem_alloc : memref<!tpu.dma_semaphore, #tpu.memory_space<semaphore_mem>>
              %dma_start3A_144 = arith.constant 0 : i32
              %dma_start3A_145 = tpu.memref_slice %arg5[%dma_start3A_144] : memref<12288xf32, #tpu.memory_space<vmem>> -> memref<8192xf32, #tpu.memory_space<vmem>>
              %dma_start3A_146 = tpu.memref_slice %arg3[%multiple_of3A_143] : memref<2097152xf32, #tpu.memory_space<hbm>> -> memref<8192xf32, #tpu.memory_space<hbm>>
              %dma_start3A_147 = tpu.memref_slice %arg3[%multiple_of3A_143] : memref<2097152xf32, #tpu.memory_space<hbm>> -> memref<8192xf32, #tpu.memory_space<hbm>>
              %dma_start3A_148 = arith.constant 0 : i32
              %dma_start3A_149 = tpu.memref_slice %arg5[%dma_start3A_148] : memref<12288xf32, #tpu.memory_space<vmem>> -> memref<8192xf32, #tpu.memory_space<vmem>>
              tpu.enqueue_dma source(%dma_start3A_149 : memref<8192xf32, #tpu.memory_space<vmem>>) target(%dma_start3A_147 : memref<8192xf32, #tpu.memory_space<hbm>>) target_semaphore(%run_scoped3A : memref<!tpu.dma_semaphore, #tpu.memory_space<semaphore_mem>>)
              %dma_wait3A = arith.constant 0 : i32
              %dma_wait3A_150 = tpu.memref_slice %arg5[%dma_wait3A] : memref<12288xf32, #tpu.memory_space<vmem>> -> memref<8192xf32, #tpu.memory_space<vmem>>
              %dma_wait3A_151 = tpu.memref_slice %arg3[%multiple_of3A_143] : memref<2097152xf32, #tpu.memory_space<hbm>> -> memref<8192xf32, #tpu.memory_space<hbm>>
              %dma_wait3A_152 = tpu.memref_slice %arg3[%multiple_of3A_143] : memref<2097152xf32, #tpu.memory_space<hbm>> -> memref<8192xf32, #tpu.memory_space<hbm>>
              %dma_wait3A_153 = arith.constant 0 : i32
              %dma_wait3A_154 = tpu.memref_slice %arg5[%dma_wait3A_153] : memref<12288xf32, #tpu.memory_space<vmem>> -> memref<8192xf32, #tpu.memory_space<vmem>>
              tpu.wait_dma2 semaphore(%run_scoped3A : memref<!tpu.dma_semaphore, #tpu.memory_space<semaphore_mem>>) src(%dma_wait3A_154 : memref<8192xf32, #tpu.memory_space<vmem>>) dst(%dma_wait3A_152 : memref<8192xf32, #tpu.memory_space<hbm>>)
              tpu.yield
            }) : () -> ()
          }
          %while3A_137 = arith.constant 1 : i32
          scf.for %while3A_138 = %while3A_135 to %while3A_131 step %while3A_137  : i32 {
            %add3A_139 = arith.addi %multiple_of3A, %scan3A_46#1 : i32
            %mul3A_140 = arith.constant 8192 : i32
            %mul3A_141 = arith.muli %while3A_138, %mul3A_140 : i32
            %add3A_142 = arith.addi %add3A_139, %mul3A_141 : i32
            %multiple_of3A_143 = tpu.assume_multiple %add3A_142, 8 : i32
            "tpu.region"() ({
              %run_scoped3A = tpu.sem_alloc : memref<!tpu.dma_semaphore, #tpu.memory_space<semaphore_mem>>
              %dma_start3A_144 = arith.constant 0 : i32
              %dma_start3A_145 = tpu.memref_slice %arg5[%dma_start3A_144] : memref<12288xf32, #tpu.memory_space<vmem>> -> memref<8192xf32, #tpu.memory_space<vmem>>
              %dma_start3A_146 = tpu.memref_slice %arg3[%multiple_of3A_143] : memref<2097152xf32, #tpu.memory_space<hbm>> -> memref<8192xf32, #tpu.memory_space<hbm>>
              %dma_start3A_147 = tpu.memref_slice %arg3[%multiple_of3A_143] : memref<2097152xf32, #tpu.memory_space<hbm>> -> memref<8192xf32, #tpu.memory_space<hbm>>
              %dma_start3A_148 = arith.constant 0 : i32
              %dma_start3A_149 = tpu.memref_slice %arg5[%dma_start3A_148] : memref<12288xf32, #tpu.memory_space<vmem>> -> memref<8192xf32, #tpu.memory_space<vmem>>
              tpu.enqueue_dma source(%dma_start3A_149 : memref<8192xf32, #tpu.memory_space<vmem>>) target(%dma_start3A_147 : memref<8192xf32, #tpu.memory_space<hbm>>) target_semaphore(%run_scoped3A : memref<!tpu.dma_semaphore, #tpu.memory_space<semaphore_mem>>)
              %dma_wait3A = arith.constant 0 : i32
              %dma_wait3A_150 = tpu.memref_slice %arg5[%dma_wait3A] : memref<12288xf32, #tpu.memory_space<vmem>> -> memref<8192xf32, #tpu.memory_space<vmem>>
              %dma_wait3A_151 = tpu.memref_slice %arg3[%multiple_of3A_143] : memref<2097152xf32, #tpu.memory_space<hbm>> -> memref<8192xf32, #tpu.memory_space<hbm>>
              %dma_wait3A_152 = tpu.memref_slice %arg3[%multiple_of3A_143] : memref<2097152xf32, #tpu.memory_space<hbm>> -> memref<8192xf32, #tpu.memory_space<hbm>>
              %dma_wait3A_153 = arith.constant 0 : i32
              %dma_wait3A_154 = tpu.memref_slice %arg5[%dma_wait3A_153] : memref<12288xf32, #tpu.memory_space<vmem>> -> memref<8192xf32, #tpu.memory_space<vmem>>
              tpu.wait_dma2 semaphore(%run_scoped3A : memref<!tpu.dma_semaphore, #tpu.memory_space<semaphore_mem>>) src(%dma_wait3A_154 : memref<8192xf32, #tpu.memory_space<vmem>>) dst(%dma_wait3A_152 : memref<8192xf32, #tpu.memory_space<hbm>>)
              tpu.yield
            }) : () -> ()
          }
        } else {
        }
      } else {
      }
    } else {
    }
    return
  }
}

module attributes {stable_mosaic.version = 14 : i64} {
  func.func @_proj_body(%arg0: i32, %arg1: memref<512x512xf32, #tpu.memory_space<vmem>>, %arg2: memref<512x2048xf32, #tpu.memory_space<vmem>>, %arg3: memref<1x2048xf32, #tpu.memory_space<vmem>>, %arg4: memref<512x2048xf32, #tpu.memory_space<vmem>>) attributes {dimension_semantics = [#tpu.dimension_semantics<arbitrary>], iteration_bounds = array<i64: 8>, scalar_prefetch = 0 : i64, scratch_operands = 0 : i64, tpu.core_type = #tpu.core_type<tc>, window_params = [{transform_indices = @transform_0, window_bounds = array<i64: 512, 512>}, {pipeline_mode = #tpu.pipeline_mode<synchronous>, transform_indices = @transform_1, window_bounds = array<i64: 512, 2048>}, {pipeline_mode = #tpu.pipeline_mode<synchronous>, transform_indices = @transform_2, window_bounds = array<i64: 1, 2048>}, {transform_indices = @transform_3, window_bounds = array<i64: 512, 2048>}]} {
    %get3A = arith.constant 0 : index
    %get3A_0 = arith.constant 0 : index
    %get3A_1 = vector.load %arg1[%get3A, %get3A_0] : memref<512x512xf32, #tpu.memory_space<vmem>>, vector<512x512xf32>
    %get3A_2 = arith.constant 0 : index
    %get3A_3 = arith.constant 0 : index
    %get3A_4 = vector.load %arg2[%get3A_2, %get3A_3] : memref<512x2048xf32, #tpu.memory_space<vmem>>, vector<512x2048xf32>
    %dot_general3A = arith.constant dense<0.000000e+00> : vector<512x2048xf32>
    %dot_general3A_5 = tpu.matmul %get3A_1, %get3A_4, %dot_general3A {dimension_numbers = #tpu.dot_dimension_numbers<[1], [0], [0], [1], [0, 0, 1, 1], [], []>, transpose_lhs_hint = false} : vector<512x512xf32>, vector<512x2048xf32>, vector<512x2048xf32> -> vector<512x2048xf32>
    %get3A_6 = arith.constant 0 : index
    %get3A_7 = arith.constant 0 : index
    %get3A_8 = vector.load %arg3[%get3A_6, %get3A_7] : memref<1x2048xf32, #tpu.memory_space<vmem>>, vector<1x2048xf32>
    %add3A = vector.broadcast %get3A_8 : vector<1x2048xf32> to vector<512x2048xf32>
    %add3A_9 = arith.addf %dot_general3A_5, %add3A : vector<512x2048xf32>
    %swap3A = arith.constant 0 : index
    %swap3A_10 = arith.constant 0 : index
    %swap3A_11 = vector.load %arg4[%swap3A, %swap3A_10] : memref<512x2048xf32, #tpu.memory_space<vmem>>, vector<512x2048xf32>
    tpu.vector_store %arg4[%swap3A, %swap3A_10], %add3A_9 {strides = array<i32>} : memref<512x2048xf32, #tpu.memory_space<vmem>>, vector<512x2048xf32>,
    return
  }
  func.func @transform_0(%arg0: i32) -> (i32, i32) {
    %c0_i32 = arith.constant 0 : i32
    %c0_i32_0 = arith.constant 0 : i32
    return %arg0, %c0_i32 : i32, i32
  }
  func.func @transform_1(%arg0: i32) -> (i32, i32) {
    %c0_i32 = arith.constant 0 : i32
    %c0_i32_0 = arith.constant 0 : i32
    %c0_i32_1 = arith.constant 0 : i32
    return %c0_i32, %c0_i32_0 : i32, i32
  }
  func.func @transform_2(%arg0: i32) -> (i32, i32) {
    %c0_i32 = arith.constant 0 : i32
    %c0_i32_0 = arith.constant 0 : i32
    %c0_i32_1 = arith.constant 0 : i32
    return %c0_i32, %c0_i32_0 : i32, i32
  }
  func.func @transform_3(%arg0: i32) -> (i32, i32) {
    %c0_i32 = arith.constant 0 : i32
    %c0_i32_0 = arith.constant 0 : i32
    return %arg0, %c0_i32 : i32, i32
  }
}

module attributes {stable_mosaic.version = 14 : i64} {
  func.func @_rec_body(%arg0: i32, %arg1: memref<64x8x2048xf32, #tpu.memory_space<vmem>>, %arg2: memref<512x2048xbf16, #tpu.memory_space<vmem>>, %arg3: memref<8x512xf32, #tpu.memory_space<vmem>>, %arg4: memref<8x512xf32, #tpu.memory_space<vmem>>, %arg5: memref<8x512xf32, #tpu.memory_space<vmem>>) attributes {dimension_semantics = [#tpu.dimension_semantics<arbitrary>], iteration_bounds = array<i64: 8>, scalar_prefetch = 0 : i64, scratch_operands = 2 : i64, tpu.core_type = #tpu.core_type<tc>, window_params = [{transform_indices = @transform_0, window_bounds = array<i64: 64, 8, 2048>}, {pipeline_mode = #tpu.pipeline_mode<synchronous>, transform_indices = @transform_1, window_bounds = array<i64: 512, 2048>}, {pipeline_mode = #tpu.pipeline_mode<synchronous>, transform_indices = @transform_2, window_bounds = array<i64: 8, 512>}]} {
    %eq3A = arith.constant 0 : i32
    %eq3A_0 = arith.cmpi eq, %arg0, %eq3A : i32
    %convert_element_type3A = arith.extui %eq3A_0 : i1 to i32
    %cond3A = arith.constant 0 : i32
    %cond3A_1 = arith.cmpi ne, %convert_element_type3A, %cond3A : i32
    scf.if %cond3A_1 {
      %broadcast_in_dim3A = arith.constant 0.000000e+00 : f32
      %broadcast_in_dim3A_20 = vector.broadcast %broadcast_in_dim3A : f32 to vector<8x512xf32>
      %swap3A_21 = arith.constant 0 : index
      %swap3A_22 = arith.constant 0 : index
      %swap3A_23 = vector.load %arg4[%swap3A_21, %swap3A_22] : memref<8x512xf32, #tpu.memory_space<vmem>>, vector<8x512xf32>
      tpu.vector_store %arg4[%swap3A_21, %swap3A_22], %broadcast_in_dim3A_20 {strides = array<i32>} : memref<8x512xf32, #tpu.memory_space<vmem>>, vector<8x512xf32>,
      %broadcast_in_dim3A_24 = arith.constant 0.000000e+00 : f32
      %broadcast_in_dim3A_25 = vector.broadcast %broadcast_in_dim3A_24 : f32 to vector<8x512xf32>
      %swap3A_26 = arith.constant 0 : index
      %swap3A_27 = arith.constant 0 : index
      %swap3A_28 = vector.load %arg5[%swap3A_26, %swap3A_27] : memref<8x512xf32, #tpu.memory_space<vmem>>, vector<8x512xf32>
      tpu.vector_store %arg5[%swap3A_26, %swap3A_27], %broadcast_in_dim3A_25 {strides = array<i32>} : memref<8x512xf32, #tpu.memory_space<vmem>>, vector<8x512xf32>,
    } else {
    }
    %get3A = arith.constant 0 : index
    %get3A_2 = arith.constant 0 : index
    %get3A_3 = vector.load %arg4[%get3A, %get3A_2] : memref<8x512xf32, #tpu.memory_space<vmem>>, vector<8x512xf32>
    %get3A_4 = arith.constant 0 : index
    %get3A_5 = arith.constant 0 : index
    %get3A_6 = vector.load %arg5[%get3A_4, %get3A_5] : memref<8x512xf32, #tpu.memory_space<vmem>>, vector<8x512xf32>
    %scan3A = arith.constant 0 : i32
    %scan3A_7 = arith.constant 64 : i32
    %scan3A_8 = arith.addi %scan3A, %scan3A_7 : i32
    %scan3A_9 = arith.constant 1 : i32
    %scan3A_10:2 = scf.for %scan3A_20 = %scan3A to %scan3A_8 step %scan3A_9 iter_args(%scan3A_21 = %get3A_3, %scan3A_22 = %get3A_6) -> (vector<8x512xf32>, vector<8x512xf32>)  : i32 {
      %convert_element_type3A_23 = arith.truncf %scan3A_21 : vector<8x512xf32> to vector<8x512xbf16>
      %get3A_24 = arith.index_cast %scan3A_20 : i32 to index
      %get3A_25 = arith.constant 0 : index
      %get3A_26 = arith.constant 0 : index
      %get3A_27 = vector.load %arg1[%get3A_24, %get3A_25, %get3A_26] : memref<64x8x2048xf32, #tpu.memory_space<vmem>>, vector<1x8x2048xf32>
      %get3A_28 = vector.shape_cast %get3A_27 : vector<1x8x2048xf32> to vector<8x2048xf32>
      %slice3A = vector.extract_strided_slice %get3A_28 {offsets = [0, 0], sizes = [8, 512], strides = [1, 1]} : vector<8x2048xf32> to vector<8x512xf32>
      %get3A_29 = arith.constant 0 : index
      %get3A_30 = arith.constant 0 : index
      %get3A_31 = vector.load %arg2[%get3A_29, %get3A_30] : memref<512x2048xbf16, #tpu.memory_space<vmem>>, vector<512x512xbf16>
      %dot_general3A = arith.constant dense<0.000000e+00> : vector<8x512xf32>
      %dot_general3A_32 = tpu.matmul %convert_element_type3A_23, %get3A_31, %dot_general3A {dimension_numbers = #tpu.dot_dimension_numbers<[1], [0], [0], [1], [0, 0, 1, 1], [], []>, transpose_lhs_hint = false} : vector<8x512xbf16>, vector<512x512xbf16>, vector<8x512xf32> -> vector<8x512xf32>
      %add3A = arith.addf %slice3A, %dot_general3A_32 : vector<8x512xf32>
      %neg3A = arith.constant 0.000000e+00 : f32
      %neg3A_33 = vector.broadcast %neg3A : f32 to vector<8x512xf32>
      %neg3A_34 = arith.subf %neg3A_33, %add3A : vector<8x512xf32>
      %exp3A = math.exp %neg3A_34 : vector<8x512xf32>
      %add3A_35 = arith.constant 1.000000e+00 : f32
      %add3A_36 = vector.broadcast %add3A_35 : f32 to vector<8x512xf32>
      %add3A_37 = arith.addf %add3A_36, %exp3A : vector<8x512xf32>
      %div3A = arith.constant 1.000000e+00 : f32
      %div3A_38 = vector.broadcast %div3A : f32 to vector<8x512xf32>
      %div3A_39 = arith.divf %div3A_38, %add3A_37 : vector<8x512xf32>
      %slice3A_40 = vector.extract_strided_slice %get3A_28 {offsets = [0, 1024], sizes = [8, 512], strides = [1, 1]} : vector<8x2048xf32> to vector<8x512xf32>
      %get3A_41 = arith.constant 0 : index
      %get3A_42 = arith.constant 1024 : index
      %get3A_43 = vector.load %arg2[%get3A_41, %get3A_42] : memref<512x2048xbf16, #tpu.memory_space<vmem>>, vector<512x512xbf16>
      %dot_general3A_44 = arith.constant dense<0.000000e+00> : vector<8x512xf32>
      %dot_general3A_45 = tpu.matmul %convert_element_type3A_23, %get3A_43, %dot_general3A_44 {dimension_numbers = #tpu.dot_dimension_numbers<[1], [0], [0], [1], [0, 0, 1, 1], [], []>, transpose_lhs_hint = false} : vector<8x512xbf16>, vector<512x512xbf16>, vector<8x512xf32> -> vector<8x512xf32>
      %add3A_46 = arith.addf %slice3A_40, %dot_general3A_45 : vector<8x512xf32>
      %mul3A = arith.constant -2.000000e+00 : f32
      %mul3A_47 = vector.broadcast %mul3A : f32 to vector<8x512xf32>
      %mul3A_48 = arith.mulf %mul3A_47, %add3A_46 : vector<8x512xf32>
      %exp3A_49 = math.exp %mul3A_48 : vector<8x512xf32>
      %add3A_50 = arith.constant 1.000000e+00 : f32
      %add3A_51 = vector.broadcast %add3A_50 : f32 to vector<8x512xf32>
      %add3A_52 = arith.addf %add3A_51, %exp3A_49 : vector<8x512xf32>
      %div3A_53 = arith.constant 2.000000e+00 : f32
      %div3A_54 = vector.broadcast %div3A_53 : f32 to vector<8x512xf32>
      %div3A_55 = arith.divf %div3A_54, %add3A_52 : vector<8x512xf32>
      %sub3A = arith.constant 1.000000e+00 : f32
      %sub3A_56 = vector.broadcast %sub3A : f32 to vector<8x512xf32>
      %sub3A_57 = arith.subf %div3A_55, %sub3A_56 : vector<8x512xf32>
      %slice3A_58 = vector.extract_strided_slice %get3A_28 {offsets = [0, 512], sizes = [8, 512], strides = [1, 1]} : vector<8x2048xf32> to vector<8x512xf32>
      %get3A_59 = arith.constant 0 : index
      %get3A_60 = arith.constant 512 : index
      %get3A_61 = vector.load %arg2[%get3A_59, %get3A_60] : memref<512x2048xbf16, #tpu.memory_space<vmem>>, vector<512x512xbf16>
      %dot_general3A_62 = arith.constant dense<0.000000e+00> : vector<8x512xf32>
      %dot_general3A_63 = tpu.matmul %convert_element_type3A_23, %get3A_61, %dot_general3A_62 {dimension_numbers = #tpu.dot_dimension_numbers<[1], [0], [0], [1], [0, 0, 1, 1], [], []>, transpose_lhs_hint = false} : vector<8x512xbf16>, vector<512x512xbf16>, vector<8x512xf32> -> vector<8x512xf32>
      %add3A_64 = arith.addf %slice3A_58, %dot_general3A_63 : vector<8x512xf32>
      %neg3A_65 = arith.constant 0.000000e+00 : f32
      %neg3A_66 = vector.broadcast %neg3A_65 : f32 to vector<8x512xf32>
      %neg3A_67 = arith.subf %neg3A_66, %add3A_64 : vector<8x512xf32>
      %exp3A_68 = math.exp %neg3A_67 : vector<8x512xf32>
      %add3A_69 = arith.constant 1.000000e+00 : f32
      %add3A_70 = vector.broadcast %add3A_69 : f32 to vector<8x512xf32>
      %add3A_71 = arith.addf %add3A_70, %exp3A_68 : vector<8x512xf32>
      %div3A_72 = arith.constant 1.000000e+00 : f32
      %div3A_73 = vector.broadcast %div3A_72 : f32 to vector<8x512xf32>
      %div3A_74 = arith.divf %div3A_73, %add3A_71 : vector<8x512xf32>
      %slice3A_75 = vector.extract_strided_slice %get3A_28 {offsets = [0, 1536], sizes = [8, 512], strides = [1, 1]} : vector<8x2048xf32> to vector<8x512xf32>
      %get3A_76 = arith.constant 0 : index
      %get3A_77 = arith.constant 1536 : index
      %get3A_78 = vector.load %arg2[%get3A_76, %get3A_77] : memref<512x2048xbf16, #tpu.memory_space<vmem>>, vector<512x512xbf16>
      %dot_general3A_79 = arith.constant dense<0.000000e+00> : vector<8x512xf32>
      %dot_general3A_80 = tpu.matmul %convert_element_type3A_23, %get3A_78, %dot_general3A_79 {dimension_numbers = #tpu.dot_dimension_numbers<[1], [0], [0], [1], [0, 0, 1, 1], [], []>, transpose_lhs_hint = false} : vector<8x512xbf16>, vector<512x512xbf16>, vector<8x512xf32> -> vector<8x512xf32>
      %add3A_81 = arith.addf %slice3A_75, %dot_general3A_80 : vector<8x512xf32>
      %neg3A_82 = arith.constant 0.000000e+00 : f32
      %neg3A_83 = vector.broadcast %neg3A_82 : f32 to vector<8x512xf32>
      %neg3A_84 = arith.subf %neg3A_83, %add3A_81 : vector<8x512xf32>
      %exp3A_85 = math.exp %neg3A_84 : vector<8x512xf32>
      %add3A_86 = arith.constant 1.000000e+00 : f32
      %add3A_87 = vector.broadcast %add3A_86 : f32 to vector<8x512xf32>
      %add3A_88 = arith.addf %add3A_87, %exp3A_85 : vector<8x512xf32>
      %div3A_89 = arith.constant 1.000000e+00 : f32
      %div3A_90 = vector.broadcast %div3A_89 : f32 to vector<8x512xf32>
      %div3A_91 = arith.divf %div3A_90, %add3A_88 : vector<8x512xf32>
      %mul3A_92 = arith.mulf %div3A_74, %scan3A_22 : vector<8x512xf32>
      %mul3A_93 = arith.mulf %div3A_39, %sub3A_57 : vector<8x512xf32>
      %add3A_94 = arith.addf %mul3A_92, %mul3A_93 : vector<8x512xf32>
      %mul3A_95 = arith.constant -2.000000e+00 : f32
      %mul3A_96 = vector.broadcast %mul3A_95 : f32 to vector<8x512xf32>
      %mul3A_97 = arith.mulf %mul3A_96, %add3A_94 : vector<8x512xf32>
      %exp3A_98 = math.exp %mul3A_97 : vector<8x512xf32>
      %add3A_99 = arith.constant 1.000000e+00 : f32
      %add3A_100 = vector.broadcast %add3A_99 : f32 to vector<8x512xf32>
      %add3A_101 = arith.addf %add3A_100, %exp3A_98 : vector<8x512xf32>
      %div3A_102 = arith.constant 2.000000e+00 : f32
      %div3A_103 = vector.broadcast %div3A_102 : f32 to vector<8x512xf32>
      %div3A_104 = arith.divf %div3A_103, %add3A_101 : vector<8x512xf32>
      %sub3A_105 = arith.constant 1.000000e+00 : f32
      %sub3A_106 = vector.broadcast %sub3A_105 : f32 to vector<8x512xf32>
      %sub3A_107 = arith.subf %div3A_104, %sub3A_106 : vector<8x512xf32>
      %mul3A_108 = arith.mulf %div3A_91, %sub3A_107 : vector<8x512xf32>
      scf.yield %mul3A_108, %add3A_94 : vector<8x512xf32>, vector<8x512xf32>
    }
    %scan3A_11 = arith.constant 64 : i32
    %swap3A = arith.constant 0 : index
    %swap3A_12 = arith.constant 0 : index
    %swap3A_13 = vector.load %arg4[%swap3A, %swap3A_12] : memref<8x512xf32, #tpu.memory_space<vmem>>, vector<8x512xf32>
    tpu.vector_store %arg4[%swap3A, %swap3A_12], %scan3A_10#0 {strides = array<i32>} : memref<8x512xf32, #tpu.memory_space<vmem>>, vector<8x512xf32>,
    %swap3A_14 = arith.constant 0 : index
    %swap3A_15 = arith.constant 0 : index
    %swap3A_16 = vector.load %arg5[%swap3A_14, %swap3A_15] : memref<8x512xf32, #tpu.memory_space<vmem>>, vector<8x512xf32>
    tpu.vector_store %arg5[%swap3A_14, %swap3A_15], %scan3A_10#1 {strides = array<i32>} : memref<8x512xf32, #tpu.memory_space<vmem>>, vector<8x512xf32>,
    %swap3A_17 = arith.constant 0 : index
    %swap3A_18 = arith.constant 0 : index
    %swap3A_19 = vector.load %arg3[%swap3A_17, %swap3A_18] : memref<8x512xf32, #tpu.memory_space<vmem>>, vector<8x512xf32>
    tpu.vector_store %arg3[%swap3A_17, %swap3A_18], %scan3A_10#0 {strides = array<i32>} : memref<8x512xf32, #tpu.memory_space<vmem>>, vector<8x512xf32>,
    return
  }
  func.func @transform_0(%arg0: i32) -> (i32, i32, i32) {
    %c0_i32 = arith.constant 0 : i32
    %c0_i32_0 = arith.constant 0 : i32
    %c0_i32_1 = arith.constant 0 : i32
    return %arg0, %c0_i32, %c0_i32_0 : i32, i32, i32
  }
  func.func @transform_1(%arg0: i32) -> (i32, i32) {
    %c0_i32 = arith.constant 0 : i32
    %c0_i32_0 = arith.constant 0 : i32
    %c0_i32_1 = arith.constant 0 : i32
    return %c0_i32, %c0_i32_0 : i32, i32
  }
  func.func @transform_2(%arg0: i32) -> (i32, i32) {
    %c0_i32 = arith.constant 0 : i32
    %c0_i32_0 = arith.constant 0 : i32
    %c0_i32_1 = arith.constant 0 : i32
    return %c0_i32, %c0_i32_0 : i32, i32
  }
}

</mosaic_0001>

<sc_bundles>
// kernel: kernel.5.cloned.1.call-start
scs
__scs_entry_jumppad:
0x0: {  	(pc) =	sbr.rel $0x88, $3  }
0x1: {  	(tag) =	ssettag $0x0;
	lr =	simm.s32 $0x1  }
0x2: {  	[smem:$0x3F9C] =	sst lr;
	_ =	strace $0xD0000000  }
0x3: {  	_ = 	snop  }
0x4: {  	_ = 	snop  }
0x5: {  	_ = 	snop  }
0x6: {  	_ = 	snop  }
0x7: {  	_ = 	snop  }
__scs_overlays_trampoline_lowered:
0x8: {  	[smem:$0x3FAB] =	sst s0  }
0x9: {  	[smem:$0x3FAC] =	sst s1  }
0xa: {  	[smem:$0x3FAD] =	sst s2  }
0xb: {  	[smem:$0x3FAE] =	sst s3  }
0xc: {  	[smem:$0x3FAF] =	sst s4  }
0xd: {  	[smem:$0x3FB0] =	sst s5  }
0xe: {  	[smem:$0x3FB1] =	sst s6  }
0xf: {  	[smem:$0x3FB2] =	sst s7  }
0x10: {  	[smem:$0x3FB3] =	sst s8  }
0x11: {  	[smem:$0x3FB4] =	sst s9;
	s0 =	simm.s32 @!p0 $0x0  }
0x12: {  	s1 =	sld [smem:$0x3F9A];
	s0 =	simm.s32 @p0 $0x1  }
0x13: {  	[smem:$0x3FB5] =	sst s0;
	s0 =	simm.s32 @!p1 $0x0  }
0x14: {  	s2 =	sld [smem:$0x3F99];
	s0 =	simm.s32 @p1 $0x1  }
0x15: {  	[smem:$0x3FB6] =	sst s0;
	s0 =	simm.s32 @!p2 $0x0  }
0x16: {  	s3 =	sld [smem:$0x3FDB];
	s0 =	simm.s32 @p2 $0x1  }
0x17: {  	s4 =	simm.s32 $0x1BF5;
	[smem:$0x3FB8] =	sst s0  }
0x18: {  	s0 =	sld [smem:$0x3F9B];
	_ =	swait.ge [sflag:s4], $0x0  }
0x19: {  	s7 =	sld [smem:$0x3F9C]  }
0x1a: {  	s8 =	sadd.s32 $0xFFFFE003, lr  }
0x1b: {  	s9 =	sadd.s32 $0xFFFFFEF7, lr;
	s5 =	simm.s32 $0xFFFFFFFF;
	p2 =	slt.u32 s8, $0xFFFFF086  }
0x1c: {  	p1 =	slt.u32 s9, $0xF7A;
	s5 =	simm.s32 @!p2 $0x0  }
0x1d: {  	s5 =	simm.s32 @p1 $0x1;
	p0 =	seq.s32 s7, s2  }
0x1e: {  	s7 =	smul.u32 @!p0 $0xF7A, s2;
	p2 =	seq.s32 @!p0 s5, $0x0  }
0x1f: {  	s9 =	smul.u32 $0xF7A, s1;
	s8 =	simm.s32 @!p0 $0x1BF5;
	p2 =	por !p2, p0  }
0x20: {  	[sflag:s8] =	ssyncset.s32 @!p0 $0xFFFFF086;
	s6 =	sadd.s32 @!p0 s3, s7;
	s7 =	simm.s32 @!p0 $0x108  }
0x21: {  	s3 =	sadd.s32 s3, s9;
	s6 =	sadd.s32 @!p0 $0x88, s6;
	s7 =	simm.s32 @p2 $0x1082  }
0x22: {  	[simem:s7], [sflag:s8] =	dma.local @!p0 [hbm:s6], $0xF7A  }
0x23: {  	s9 =	sor.u32 $0xD0000000, s2;
	s6 =	simm.s32 $0x108;
	_ =	swait.ge @!p0 [sflag:s8], $0x0  }
0x24: {  	s3 =	sadd.s32 $0x88, s3;
	s6 =	simm.s32 @!p1 $0x1082;
	[sflag:s4] =	ssyncset.s32 $0xFFFFF086  }
0x25: {  	[simem:s6], [sflag:s4] =	dma.local [hbm:s3], $0xF7A  }
0x26: {  	[smem:$0x3F9C] =	sst s1;
	(tag) =	ssettag s2;
	_ =	strace s9  }
0x27: {  	s1 =	sld [smem:$0x3FAC]  }
0x28: {  	s2 =	sld [smem:$0x3FAD]  }
0x29: {  	s4 =	sld [smem:$0x3FAF]  }
0x2a: {  	p0 =	seq.s32 s5, $0x0;
	s5 =	sld [smem:$0x3FB0]  }
0x2b: {  	s6 =	sld [smem:$0x3FB1]  }
0x2c: {  	s7 =	sld [smem:$0x3FB2]  }
0x2d: {  	s3 =	simm.s32 $0x108;
	s8 =	sld [smem:$0x3FB3]  }
0x2e: {  	s3 =	simm.s32 @!p0 $0x1082;
	s9 =	sld [smem:$0x3FB4]  }
0x2f: {  	lr =	sadd.s32 s0, s3;
	s0 =	sld [smem:$0x3FAB]  }
0x30: {  	s3 =	sld [smem:$0x3FAE]  }
0x31: {  	[smem:$0x3FB7] =	sst s10  }
0x32: {  	s10 =	sld [smem:$0x3FB5];
	_ =	sdelay $0x3  }
0x33: {  	p0 =	seq.s32 s10, $0x1;
	s10 =	sld [smem:$0x3FB7];
	_ =	sdelay $0x3  }
0x34: {  	[smem:$0x3FB7] =	sst s10  }
0x35: {  	s10 =	sld [smem:$0x3FB6];
	_ =	sdelay $0x3  }
0x36: {  	p1 =	seq.s32 s10, $0x1;
	s10 =	sld [smem:$0x3FB7];
	_ =	sdelay $0x3  }
0x37: {  	[smem:$0x3FB7] =	sst s10  }
0x38: {  	s10 =	sld [smem:$0x3FB8]  }
0x39: {  	_ = 	snop;
	(pc) =	sbr.ind lr, $3  }
0x3a: {  	_ = 	snop  }
0x3b: {  	_ = 	snop  }
0x3c: {  	p2 =	seq.s32 s10, $0x1;
	s10 =	sld [smem:$0x3FB7]  }
0x3d: {  	_ =	shalt  }
0x3e: {  	_ =	shalt  }
0x3f: {  	_ =	shalt  }
0x40: {  	_ =	shalt  }
0x41: {  	_ =	shalt  }
0x42: {  	_ =	shalt  }
0x43: {  	_ =	shalt  }
0x44: {  	_ =	shalt  }
0x45: {  	_ =	shalt  }
0x46: {  	_ =	shalt  }
0x47: {  	_ =	shalt  }
0x48: {  	_ =	shalt  }
0x49: {  	_ =	shalt  }
0x4a: {  	_ =	shalt  }
0x4b: {  	_ =	shalt  }
0x4c: {  	_ =	shalt  }
0x4d: {  	_ =	shalt  }
0x4e: {  	_ =	shalt  }
0x4f: {  	_ =	shalt  }
0x50: {  	_ =	shalt  }
0x51: {  	_ =	shalt  }
0x52: {  	_ =	shalt  }
0x53: {  	_ =	shalt  }
0x54: {  	_ =	shalt  }
0x55: {  	_ =	shalt  }
0x56: {  	_ =	shalt  }
0x57: {  	_ =	shalt  }
0x58: {  	_ =	shalt  }
0x59: {  	_ =	shalt  }
0x5a: {  	_ =	shalt  }
0x5b: {  	_ =	shalt  }
0x5c: {  	_ =	shalt  }
0x5d: {  	_ =	shalt  }
0x5e: {  	_ =	shalt  }
0x5f: {  	_ =	shalt  }
0x60: {  	_ =	shalt  }
0x61: {  	_ =	shalt  }
0x62: {  	_ =	shalt  }
0x63: {  	_ =	shalt  }
0x64: {  	_ =	shalt  }
0x65: {  	_ =	shalt  }
0x66: {  	_ =	shalt  }
0x67: {  	_ =	shalt  }
0x68: {  	_ =	shalt  }
0x69: {  	_ =	shalt  }
0x6a: {  	_ =	shalt  }
0x6b: {  	_ =	shalt  }
0x6c: {  	_ =	shalt  }
0x6d: {  	_ =	shalt  }
0x6e: {  	_ =	shalt  }
0x6f: {  	_ =	shalt  }
0x70: {  	_ =	shalt  }
0x71: {  	_ =	shalt  }
0x72: {  	_ =	shalt  }
0x73: {  	_ =	shalt  }
0x74: {  	_ =	shalt  }
0x75: {  	_ =	shalt  }
0x76: {  	_ =	shalt  }
0x77: {  	_ =	shalt  }
0x78: {  	_ =	shalt  }
0x79: {  	_ =	shalt  }
0x7a: {  	_ =	shalt  }
0x7b: {  	_ =	shalt  }
0x7c: {  	_ =	shalt  }
0x7d: {  	_ =	shalt  }
0x7e: {  	_ =	shalt  }
0x7f: {  	_ =	shalt  }
0x80: {  	_ =	shalt  }
0x81: {  	_ =	shalt  }
0x82: {  	_ =	shalt  }
0x83: {  	_ =	shalt  }
0x84: {  	_ =	shalt  }
0x85: {  	_ =	shalt  }
0x86: {  	_ =	shalt  }
0x87: {  	_ =	shalt  }
.Lfunc_end0:
.L_simem_size_0:
called_computation_lowered:
.L_overlay_start_0:
0x88: {  	s2 =	sld [smem:$0x3FD9]  }
0x89: {  	s3 =	sld [smem:$0x3FFE];
	_ =	sdelay $0x1  }
0x8a: {  	s1 =	srdreg.scid  }
0x8b: {  	s0 =	sand.u32 $0x1, s1  }
0x8c: {  	s16 =	sshll.u32 s0, $0xA;
	s2 =	sadd.s32 s3, s2  }
0x8d: {  	s2 =	sadd.s32 s2, s16  }
0x8e: {  	[smem:$0x3FC3] =	sst s2  }
0x8f: {  	_ = 	snop  }
0x90: {  	(tm) =	ssettm $0x1  }
0x91: {  	s17 =	sld [smem:$0x3FFB];
	_ =	sdelay $0x3  }
0x92: {  	_ =	strace s17  }
0x93: {  	s2 =	sld [smem:$0x3FFC];
	_ =	sdelay $0x3  }
0x94: {  	_ =	strace s2  }
0x95: {  	s2 =	sld [smem:$0x3FFD];
	_ =	sdelay $0x3  }
0x96: {  	_ =	strace s2  }
0x97: {  	_ =	strace $0x8FFFFFFF  }
0x98: {  	s18 =	sld [smem:$0x3FDB];
	_ =	sdelay $0x1  }
0x99: {  	s19 =	simm.s32 $_scs_section_size  }
0x9a: {  	s4 =	simm.s32 $_size__tile_overlayer_lowered;
	s5 =	simm.s32 $_tile_overlayer_lowered  }
0x9b: {  	s22 =	simm.s32 $0x1BFF;
	s21 =	sshll.u32 s5, $0x1;
	s2 =	sadd.s32 s19, s18  }
0x9c: {  	s6 =	simm.s32 $0x0;
	s20 =	sshll.u32 s4, $0x1;
	s4 =	sadd.s32 s21, s2  }
0x9d: {  	[timem:s6], [sflag:s22] =	dma.local [hbm:s4], s20  }
0x9e: {  	_ =	swait.ge [sflag:s22], s20  }
0x9f: {  	s3 =	ssub.s32 $0x0, s20;
	[sflag:s22] =	ssyncset.done $0x0  }
0xa0: {  	[sflag:s22] =	ssyncadd.s32 s3;
	_ =	sdelay $0x1  }
0xa1: {  	s23 =	simm.s32 $0x1B8B  }
0xa2: {  	_ =	swait.ge [sflag:s23], $0x1  }
0xa3: {  	[sflag:s23] =	ssyncset.done $0x0  }
0xa4: {  	s25 =	simm.s32 $0x1B8E;
	s24 =	sld [smem:$0x3FFE];
	[sflag:s23] =	ssyncadd.s32 $0xFFFFFFFF  }
0xa5: {  	s26 =	simm.s32 $execute0_lowered;
	[smem:$0x3FD2] =	sst s25  }
0xa6: {  	s4 =	sshll.u32 s26, $0x1;
	_ =	strace $0x80000046;
	[dreg:$0x1] =	wrdreg $0xFFFFFFFF  }
0xa7: {  	s28 =	simm.s32 $_size_execute0_lowered;
	s2 =	sadd.s32 s2, s4;
	[dreg:$0x0] =	wrdreg $0x0  }
0xa8: {  	s4 =	sshll.u32 s28, $0x1;
	[dreg:$0x2] =	wrdreg s2  }
0xa9: {  	[dreg:$0x3] =	wrdreg s4  }
0xaa: {  	[dreg:$0x4] =	wrdreg $0xC0  }
0xab: {  	_ =	task [dreg:s6], $0x5FFFF  }
0xac: {  	[dreg:$0x1] =	wrdreg $0xFFFFFFFF  }
0xad: {  	[dreg:$0x0] =	wrdreg $0x60  }
0xae: {  	[dreg:$0x2] =	wrdreg s24  }
0xaf: {  	[dreg:$0x3] =	wrdreg $0x9  }
0xb0: {  	_ =	task.clear_ibuf [dreg:s6], $0x4FFFF;
	_ =	strace $0x90000046  }
0xb1: {  	s29 =	simm.s32 $0x9;
	_ =	strace $0x80000048  }
0xb2: {  	_ =	swait.ge [sflag:s29], $0x1  }
0xb3: {  	[sflag:s29] =	ssyncadd.s32 $0xFFFFFFFF  }
0xb4: {  	_ =	strace $0x90000048  }
0xb5: {  	_ =	sfence  }
0xb6: {  	s30 =	sld [smem:$0x0];
	_ =	sdelay $0x2  }
0xb7: {  	s31 =	sshll.u32 s1, $0xD;
	s1 =	sshrl.u32 s1, $0x2  }
0xb8: {  	s3 =	sand.u32 $0x4000, s31;
	s1 =	sadd.s32 s1, s30  }
0xb9: {  	s0 =	sor.u32 s3, s0;
	s1 =	sshll.u32 s1, $0x11  }
0xba: {  	s0 =	sor.u32 s1, s0  }
0xbb: {  	s0 =	sadd.s32 $0x8F2B, s0  }
0xbc: {  	[sflag:s0] =	ssyncadd.remote.s32 $0x1  }
0xbd: {  	_ =	sfence.sel $0xFFFF  }
0xbe: {  	[dreg:$0x0] =	wrdreg $0xFFFFFFFF;
	(pc) =	sbr.abs _section_cstart, $3  }
0xbf: {  	[dreg:$0x1] =	wrdreg $0xFFFFFFFF  }
0xc0: {  	_ =	task.clear_ibuf [dreg:s6], $0x2FFFF;
	_ =	strace $0x9FFFFFFF  }
0xc1: {  	(tm) =	ssettm $0x7FFFFFFF  }
tec
execute0_lowered:
.L_overlay_start_1:
0x0: {  	(tag) =	ssettag $0x1  }
0x1: {  	s1 =	stileid.u32  }
0x2: {  	p0 =	sgt.u32 s1, $0x3  }
.Ltmp0:
0x3: {  	_ = 	snop;
	(pc) =	sbr.rel @p0 .LBB2_34-.Ltmp0, $4  }
0x4: {  	_ = 	snop  }
0x5: {  	s4 =	rddreg [dreg:$0x0];
	s2 =	simm.s32 $0x0  }
0x6: {  	[smem:$0x7FF] =	sst s2  }
0x7: {  	s0 =	rddreg [dreg:$0x1];
	_ =	strace $0x80000047  }
0x8: {  	s3 =	srdreg.scid  }
0x9: {  	s30 =	sshll.u32 s1, $0x1;
	s12 =	sshll.u32 s1, $0x13;
	s14 =	simm.s32 $0x0  }
0xa: {  	s8 =	sand.u32 $0x1, s3;
	s3 =	sadd.s32 $0xC00, s4;
	s4 =	sadd.s32 $0x40C00, s4  }
0xb: {  	s5 =	sor.u32 s8, s30;
	s10 =	ssub.s32 $0x2, s8;
	s13 =	sshll.u32 s8, $0x12  }
.Ltmp1:
0xc: {  	s9 =	sshll.u32 s5, $0xF;
	s5 =	sshll.u32 s5, $0x12;
	(pc) =	sbr.rel .LBB2_2-.Ltmp1, $4  }
0xd: {  	s11 =	sshrl.u32 s10, $0x1;
	s31 =	sor.u32 s13, s12;
	s12 =	simm.s32 $0x3  }
0xe: {  	s13 =	simm.s32 $0x2000;
	s6 =	sadd.s32 s9, s3;
	s7 =	sor.u32 $0x2000, s5  }
0xf: {  	s10 =	ssub.s32 s10, s11;
	s8 =	sadd.s32 s3, s9;
	s11 =	simm.s32 $0x5000  }
0x10: {  	v0 =	vimm.s32 $0x0;
	vm0 =	vmmov $0x1;
	v1 =	vlaneseq.u32;
	s6 =	sadd.s32 $0x200, s6;
	s9 =	smax.u32 s10, $0x1;
	s10 =	sor.u32 $0x2000, s31  }
.LBB2_32:
0x11: {  	[sflag:s12] =	ssyncset.done $0x0  }
0x12: {  	[sflag:s12] =	ssyncadd.s32 $0xFFFFE000  }
.LBB2_33:
0x13: {  	s14 =	sadd.s32 $0x1, s14  }
0x14: {  	p0 =	sne.s32 s14, s9  }
.Ltmp2:
0x15: {  	_ = 	snop;
	(pc) =	sbr.rel @!p0 .LBB2_34-.Ltmp2, $1  }
0x16: {  	_ =	sdelay $0x3  }
.LBB2_2:
0x17: {  	s15 =	simm.s32 $0x0  }
0x18: {  	[tilespmem:s11], [sflag:$0x3] =	stream.linear.gather [hbm4b:s8+s15], $0x10, $0x38;
	[tilespmem:$0x5080] =	vst v63  }
0x19: {  	_ =	swait.ge [sflag:s12], $0x10  }
0x1a: {  	[sflag:s12] =	ssyncset.done $0x0  }
0x1b: {  	[sflag:s12] =	ssyncadd.s32 $0xFFFFFFF0  }
0x1c: {  	s16 =	simm.s32 $0x10;
	s18 =	sadd.s32 $0x0, s8;
	s17 =	simm.s32 $0x100;
	v2 =	vld [tilespmem:$0x5000]  }
.LBB2_3:
0x1d: {  	[tilespmem:s15], [sflag:$0x1] =	stream.linear.gather [hbm4b:s18+s2], $0x80, $0x38;
	[tilespmem:$0x5080] =	vst v63  }
0x1e: {  	s18 =	smov.u32 s16;
	s15 =	smov.u32 s17;
	p0 =	sne.s32 s16, $0x1F0  }
.Ltmp3:
0x1f: {  	s16 =	sadd.s32 $0x10, s16;
	(pc) =	sbr.rel @p0 .LBB2_3-.Ltmp3, $2  }
0x20: {  	_ =	sdelay $0x2  }
0x21: {  	s17 =	sadd.s32 $0x100, s17;
	s18 =	sadd.s32 s18, s8  }
0x22: {  	[tilespmem:s15], [sflag:$0x1] =	stream.linear.gather [hbm4b:s18+s2], $0x80, $0x38;
	[tilespmem:$0x5080] =	vst v63  }
0x23: {  	s15 =	simm.s32 $0x0;
	s16 =	simm.s32 $0x80;
	s17 =	simm.s32 $0x0  }
.LBB2_5:
0x24: {  	p0 =	sne.s32 s17, $0x1F0  }
.Ltmp4:
0x25: {  	_ = 	snop;
	(pc) =	sbr.rel @p0 .LBB2_5-.Ltmp4, $4  }
0x26: {  	_ = 	snop  }
0x27: {  	s18 =	sadd.s32 s17, s6  }
0x28: {  	[tilespmem:s16], [sflag:$0x2] =	stream.linear.gather [hbm4b:s18+s15], $0x80, $0x38;
	[tilespmem:$0x5080] =	vst v63  }
0x29: {  	s17 =	sadd.s32 $0x10, s17;
	s16 =	sadd.s32 $0x100, s16  }
.Ltmp5:
0x2a: {  	(pc) =	sbr.rel .LBB2_7-.Ltmp5, $2  }
0x2b: {  	_ =	sdelay $0x2  }
0x2c: {  	v3 =	vimm.s32 $0x0;
	p0 =	por $0x0, $0x0;
	s16 =	simm.s32 $0x0  }
.LBB2_16:
0x2d: {  	[tilespmem:s18+$0x0] =	vst v4  }
.LBB2_17:
0x2e: {  	s16 =	sadd.s32 $0x1, s16  }
0x2f: {  	p2 =	sne.s32 s16, $0x40  }
.Ltmp6:
0x30: {  	_ = 	snop;
	(pc) =	sbr.rel @!p2 .LBB2_18-.Ltmp6, $3  }
0x31: {  	_ =	sdelay $0x1  }
0x32: {  	p1 =	sgt.u32 s17, $0x80001FFF;
	s17 =	sadd.s32 $0x2000, s15;
	v4 =	vadd.s32 $0xFFFFE000, v3  }
0x33: {  	p0 =	por !p0, !p0;
	s15 =	smov.u32 @p1 s17;
	v3 =	vpsel p1, v4, v3  }
.LBB2_7:
0x34: {  	s17 =	sand.u32 $0x1, s16;
	s19 =	sshll.u32 s16, $0x7  }
0x35: {  	s17 =	sadd.s32 $0x1, s17;
	s20 =	sand.u32 $0x80, s19  }
0x36: {  	s18 =	simm.s32 $0x1;
	_ =	swait.ge [sflag:s17], $0x1000;
	v4 =	vmov s20  }
0x37: {  	s18 =	simm.s32 @!p0 $0x0;
	s19 =	simm.s32 $0x0;
	[sflag:s17] =	ssyncset.done $0x0  }
0x38: {  	s18 =	sshll.u32 s18, $0x7;
	s20 =	simm.s32 $0x0;
	[sflag:s17] =	ssyncadd.s32 $0xFFFFF000  }
.LBB2_8:
0x39: {  	s21 =	sand.u32 $0x40, s20;
	s22 =	sand.u32 $0x1F00, s19  }
0x3a: {  	s21 =	sor.u32 s21, s22  }
0x3b: {  	v5 =	vld.idx.msk [tilespmem:v4+s21+$0x0 ss:$0x1], $0xffff;
	_ =	sdelay $0x4  }
0x3c: {  	vm1 =	vlt.f32 v5, $0.0e+00;
	vm2 =	vgt.f32 v5, $0.0e+00  }
0x3d: {  	vm1 =	vmor vm2, vm1  }
0x3e: {  	v6 =	vsel vm1, $0x1, v0  }
0x3f: {  	(xrf0) =	vadd.scan.msk.s32 $0xffff, v6;
	_ =	sdelay $0x5  }
0x40: {  	v6, _, _ =	vpop (xrf0)  }
0x41: {  	v6 =	vadd.s32 v6, v3  }
0x42: {  	v6 =	vadd.s32 $0xFFFFFFFF, v6  }
0x43: {  	v6 =	vnsel vm1, $0x0, v6;
	_ =	sdelay $0x4  }
0x44: {  	[tilespmem:v6+s13+$0x0] =	vst.idx.msk vm1, v5  }
0x45: {  	v5 =	vld.idx.msk [tilespmem:v4+s21+$0x10 ss:$0x1], $0xffff;
	_ =	sdelay $0x4  }
0x46: {  	vm2 =	vlt.f32 v5, $0.0e+00;
	vm3 =	vgt.f32 v5, $0.0e+00  }
0x47: {  	vm2 =	vmor vm3, vm2  }
0x48: {  	v6 =	vsel vm2, $0x1, v0  }
0x49: {  	(xrf0) =	vadd.scan.msk.s32 $0xffff, v6;
	_ =	sdelay $0x1  }
0x4a: {  	v6 =	vmpcnt.ones.xlane vm1;
	_ =	sdelay $0x3  }
0x4b: {  	v3 =	vadd.s32 v3, v6;
	v6, _, _ =	vpop (xrf0)  }
0x4c: {  	v6 =	vadd.s32 v6, v3  }
0x4d: {  	v6 =	vadd.s32 $0xFFFFFFFF, v6  }
0x4e: {  	v6 =	vnsel vm2, $0x0, v6;
	_ =	sdelay $0x4  }
0x4f: {  	[tilespmem:v6+s13+$0x0] =	vst.idx.msk vm2, v5  }
0x50: {  	v5 =	vld.idx.msk [tilespmem:v4+s21+$0x20 ss:$0x1], $0xffff;
	_ =	sdelay $0x4  }
0x51: {  	vm1 =	vlt.f32 v5, $0.0e+00;
	vm3 =	vgt.f32 v5, $0.0e+00  }
0x52: {  	vm1 =	vmor vm3, vm1  }
0x53: {  	v6 =	vsel vm1, $0x1, v0  }
0x54: {  	(xrf0) =	vadd.scan.msk.s32 $0xffff, v6;
	_ =	sdelay $0x1  }
0x55: {  	v6 =	vmpcnt.ones.xlane vm2;
	_ =	sdelay $0x3  }
0x56: {  	v3 =	vadd.s32 v3, v6;
	v6, _, _ =	vpop (xrf0)  }
0x57: {  	v6 =	vadd.s32 v6, v3  }
0x58: {  	v6 =	vadd.s32 $0xFFFFFFFF, v6  }
0x59: {  	v6 =	vnsel vm1, $0x0, v6;
	_ =	sdelay $0x4  }
0x5a: {  	[tilespmem:v6+s13+$0x0] =	vst.idx.msk vm1, v5  }
0x5b: {  	v5 =	vld.idx.msk [tilespmem:v4+s21+$0x30 ss:$0x1], $0xffff;
	_ =	sdelay $0x4  }
0x5c: {  	vm2 =	vlt.f32 v5, $0.0e+00;
	vm3 =	vgt.f32 v5, $0.0e+00  }
0x5d: {  	vm2 =	vmor vm3, vm2  }
0x5e: {  	v6 =	vsel vm2, $0x1, v0  }
0x5f: {  	(xrf0) =	vadd.scan.msk.s32 $0xffff, v6;
	_ =	sdelay $0x1  }
0x60: {  	v6 =	vmpcnt.ones.xlane vm1;
	_ =	sdelay $0x3  }
0x61: {  	v3 =	vadd.s32 v3, v6;
	v6, _, _ =	vpop (xrf0)  }
0x62: {  	v6 =	vadd.s32 v6, v3  }
0x63: {  	v6 =	vadd.s32 $0xFFFFFFFF, v6  }
0x64: {  	p1 =	sne.s32 s20, $0xFC0;
	v6 =	vnsel vm2, $0x0, v6  }
.Ltmp7:
0x65: {  	_ = 	snop;
	(pc) =	sbr.rel @p1 .LBB2_8-.Ltmp7, $3  }
0x66: {  	_ = 	snop  }
0x67: {  	v7 =	vmpcnt.ones.xlane vm2;
	_ =	sdelay $0x1  }
0x68: {  	s19 =	sadd.s32 $0x80, s19;
	s20 =	sadd.s32 $0x40, s20;
	v3 =	vadd.s32 v3, v7;
	[tilespmem:v6+s13+$0x0] =	vst.idx.msk vm2, v5  }
0x69: {  	p1 =	sgt.u32 s16, $0x3D  }
.Ltmp8:
0x6a: {  	_ = 	snop;
	(pc) =	sbr.rel @p1 .LBB2_13-.Ltmp8, $1  }
0x6b: {  	_ =	sdelay $0x3  }
0x6c: {  	s19 =	sshll.u32 s16, $0xC  }
0x6d: {  	s19 =	sadd.s32 s19, s7  }
0x6e: {  	s19 =	sshrl.u32 s19, $0x3  }
0x6f: {  	s19 =	sadd.s32 s3, s19  }
0x70: {  	s20 =	simm.s32 $0x10;
	s21 =	sadd.s32 $0x100, s18;
	s22 =	sadd.s32 $0x0, s19  }
.LBB2_11:
0x71: {  	[tilespmem:s18], [sflag:s17] =	stream.linear.gather [hbm4b:s22+s2], $0x80, $0x38;
	[tilespmem:$0x5080] =	vst v63  }
0x72: {  	s22 =	smov.u32 s20;
	s18 =	smov.u32 s21;
	p1 =	sne.s32 s20, $0x1F0  }
.Ltmp9:
0x73: {  	s20 =	sadd.s32 $0x10, s20;
	(pc) =	sbr.rel @p1 .LBB2_11-.Ltmp9, $2  }
0x74: {  	_ =	sdelay $0x2  }
0x75: {  	s21 =	sadd.s32 $0x100, s21;
	s22 =	sadd.s32 s22, s19  }
0x76: {  	[tilespmem:s18], [sflag:s17] =	stream.linear.gather [hbm4b:s22+s2], $0x80, $0x38;
	[tilespmem:$0x5080] =	vst v63  }
.LBB2_13:
0x77: {  	v4 =	vxor.u32 $0x80000000, v3  }
0x78: {  	(xrf0) =	vmax.scan.msk.u32 $0xffff, v4;
	_ =	sdelay $0x5  }
0x79: {  	v4, _, _ =	vpop (xrf0)  }
0x7a: {  	(v2sf) =	vpush v4, $0xF;
	_ =	sdelay $0xe  }
0x7b: {  	s17 =	spop (v2sf)  }
0x7c: {  	p1 =	slt.u32 s17, $0x80002000  }
0x7d: {  	s18 =	sadd.s32 @!p1 s5, s15  }
0x7e: {  	s18 =	sshrl.u32 @!p1 s18, $0x3  }
0x7f: {  	s20 =	simm.s32 @!p1 $0x0;
	s19 =	sadd.s32 @!p1 s4, s18;
	s18 =	simm.s32 @!p1 $0x2000  }
0x80: {  	[hbm4b:s19+s20] =	stream.linear.scatter @!p1 [tilespmem:s18], [sflag:$0x3], $0x2000, $0x38;
	[tilespmem:$0x5080] =	vst v63  }
0x81: {  	s19 =	sadd.s32 @!p1 $0x7FFFE00F, s17  }
0x82: {  	s19 =	sshrl.u32 @!p1 s19, $0x4  }
0x83: {  	p2 =	seq.s32 @!p1 s19, $0x0  }
0x84: {  	p2 =	por p1, p2  }
.Ltmp10:
0x85: {  	_ = 	snop;
	(pc) =	sbr.rel @p2 .LBB2_17-.Ltmp10, $4  }
0x86: {  	s21 =	simm.s32 @!p1 $0x3  }
0x87: {  	_ =	swait.ge @!p1 [sflag:s21], $0x2000  }
0x88: {  	[sflag:s21] =	ssyncset.done @!p1 $0x0  }
0x89: {  	[sflag:s21] =	ssyncadd.s32 @!p1 $0xFFFFE000  }
0x8a: {  	s21 =	sand.u32 $0xFFFFFFF0, s20;
	p1 =	sne.s32 s19, $0x1  }
.Ltmp11:
0x8b: {  	v4 =	vld [tilespmem:s21+$0x4000];
	(pc) =	sbr.rel @!p1 .LBB2_16-.Ltmp11, $2  }
0x8c: {  	_ =	sdelay $0x2  }
0x8d: {  	s19 =	sadd.s32 $0xFFFFFFFF, s19;
	s20 =	sadd.s32 $0x10, s20  }
.LBB2_15:
0x8e: {  	s21 =	sand.u32 $0xFFFFFFF0, s20;
	p1 =	sne.s32 s19, $0x1;
	s19 =	sadd.s32 $0xFFFFFFFF, s19;
	[tilespmem:s18+$0x0] =	vst v4  }
.Ltmp12:
0x8f: {  	v4 =	vld [tilespmem:s21+$0x4000];
	(pc) =	sbr.rel @p1 .LBB2_15-.Ltmp12, $2  }
0x90: {  	_ =	sdelay $0x2  }
0x91: {  	s20 =	sadd.s32 $0x10, s20;
	s18 =	sadd.s32 $0x10, s18  }
.Ltmp13:
0x92: {  	_ = 	snop;
	(pc) =	sbr.rel .LBB2_16-.Ltmp13, $1  }
0x93: {  	_ =	sdelay $0x3  }
.LBB2_18:
0x94: {  	v3 =	vxor.u32 $0x80000000, v3  }
0x95: {  	(xrf0) =	vmax.scan.msk.u32 $0xffff, v3;
	_ =	sdelay $0x5  }
0x96: {  	v3, _, _ =	vpop (xrf0)  }
0x97: {  	(v2sf) =	vpush v3, $0xF;
	_ =	sdelay $0x3  }
0x98: {  	v2 =	vnsel vm0, $0x0, v2  }
0x99: {  	(xrf2) =	vadd.scan.msk.f32 $0xffff, v2;
	_ =	sdelay $0x4  }
0x9a: {  	p0 =	sgt.s32 s15, $0x3FFFF  }
.Ltmp14:
0x9b: {  	_ = 	snop;
	(pc) =	sbr.rel @p0 .LBB2_33-.Ltmp14, $2  }
0x9c: {  	_ =	sdelay $0x2  }
0x9d: {  	v2, _, _ =	vpop (xrf2);
	s16 =	spop (v2sf)  }
0x9e: {  	s17 =	sxor.u32 $0x80000000, s16  }
0x9f: {  	p1 =	sgt.s32 s16, $0xFFFFFFFF;
	s30 =	sand.u32 $0xF, s16;
	p0 =	slt.s32 s17, $0x1  }
0xa0: {  	s18 =	sshra.s32 s17, $0x1F;
	p6 =	sne.s32 s30, $0x0;
	p0 =	por p1, p0  }
0xa1: {  	s31 =	sshrl.u32 s18, $0x1C;
	p0 =	por !p6, !p0  }
0xa2: {  	s18 =	simm.s32 $0x1;
	s16 =	sadd.s32 s31, s17;
	p0 =	por !p0, !p0  }
0xa3: {  	s16 =	sshra.s32 s16, $0x4;
	s18 =	simm.s32 @!p0 $0x0  }
0xa4: {  	s18 =	ssub.s32 s16, s18  }
0xa5: {  	p0 =	sgt.s32 s18, $0x1FF  }
.Ltmp15:
0xa6: {  	_ = 	snop;
	(pc) =	sbr.rel @p0 .LBB2_26-.Ltmp15, $2  }
0xa7: {  	_ =	sdelay $0x1  }
0xa8: {  	v2 =	vbroadcast v2, $0xF;
	_ =	sdelay $0x1  }
0xa9: {  	s19 =	ssub.s32 $0x200, s18  }
0xaa: {  	p1 =	sne.s32 s19, $0x1  }
.Ltmp16:
0xab: {  	_ = 	snop;
	(pc) =	sbr.rel @!p1 .LBB2_21-.Ltmp16, $4  }
0xac: {  	s16 =	sshll.u32 s18, $0x6  }
0xad: {  	s16 =	sshra.s32 s16, $0x2  }
0xae: {  	s16 =	sadd.s32 $0x2000, s16  }
0xaf: {  	v3 =	vmov s17;
	s17 =	sshll.u32 s18, $0x4;
	p0 =	por $0x0, $0x0;
	s18 =	sadd.s32 $0xFFFFFFFF, s19;
	v4 =	vld [tilespmem:s16+$0x0]  }
0xb0: {  	_ = 	snop  }
0xb1: {  	p1 =	sne.s32 s18, $0x1  }
.Ltmp17:
0xb2: {  	v5 =	vor.u32 s17, v1;
	(pc) =	sbr.rel @!p1 .LBB2_23-.Ltmp17, $4  }
0xb3: {  	vm1 =	vlt.s32 v5, v3  }
0xb4: {  	v4 =	vsel vm1, v4, v2  }
0xb5: {  	[tilespmem:s16+$0x0] =	vst v4;
	s16 =	sadd.s32 $0x10, s16  }
0xb6: {  	s19 =	sadd.s32 $0xFFFFFFFF, s18;
	p0 =	por $0x1, $0x1;
	s18 =	smov.u32 s17;
	v4 =	vld [tilespmem:s16+$0x0]  }
.LBB2_24:
0xb7: {  	p1 =	sne.s32 s19, $0x1  }
0xb8: {  	s18 =	sadd.s32 $0x10, s18  }
.Ltmp18:
0xb9: {  	v5 =	vor.u32 s18, v1;
	(pc) =	sbr.rel @p1 .LBB2_24-.Ltmp18, $4  }
0xba: {  	vm1 =	vlt.s32 v5, v3  }
0xbb: {  	v4 =	vsel vm1, v4, v2  }
0xbc: {  	[tilespmem:s16+$0x0] =	vst v4;
	s16 =	sadd.s32 $0x10, s16  }
0xbd: {  	s19 =	sadd.s32 $0xFFFFFFFF, s19;
	v4 =	vld [tilespmem:s16+$0x0]  }
.LBB2_25:
0xbe: {  	s18 =	sadd.s32 @p0 $0x10, s18  }
0xbf: {  	s17 =	smov.u32 @p0 s18  }
0xc0: {  	v5 =	vor.u32 s17, v1  }
0xc1: {  	vm1 =	vlt.s32 v5, v3  }
0xc2: {  	v3 =	vsel vm1, v4, v2  }
0xc3: {  	[tilespmem:s16+$0x0] =	vst v3  }
.LBB2_26:
0xc4: {  	s16 =	sadd.s32 s5, s15  }
0xc5: {  	p0 =	sgt.s32 s15, $0x3DFFF;
	s16 =	sshrl.u32 s16, $0x3  }
.Ltmp19:
0xc6: {  	s17 =	simm.s32 $0x0;
	s16 =	sadd.s32 s4, s16;
	(pc) =	sbr.rel @p0 .LBB2_33-.Ltmp19, $4  }
0xc7: {  	[hbm4b:s16+s17] =	stream.linear.scatter [tilespmem:s13], [sflag:$0x3], $0x2000, $0x38;
	[tilespmem:$0x5080] =	vst v63  }
0xc8: {  	_ =	swait.ge [sflag:s12], $0x2000  }
0xc9: {  	[sflag:s12] =	ssyncset.done $0x0  }
0xca: {  	[sflag:s12] =	ssyncadd.s32 $0xFFFFE000  }
0xcb: {  	s17 =	simm.s32 $0x40;
	s16 =	simm.s32 $0x0  }
.LBB2_28:
0xcc: {  	p0 =	sne.s32 s17, $0x7FC0;
	[tilespmem:s16+$0x2000] =	vst v2;
	s16 =	smov.u32 s17;
	s17 =	sadd.s32 $0x40, s17  }
.Ltmp20:
0xcd: {  	(pc) =	sbr.rel @p0 .LBB2_28-.Ltmp20, $2  }
0xce: {  	_ =	sdelay $0x2  }
0xcf: {  	s16 =	sshra.s32 s16, $0x2  }
0xd0: {  	s17 =	ssub.s32 $0x40000, s15  }
0xd1: {  	s18 =	sand.u32 $0x1FF8, s17  }
0xd2: {  	s19 =	sshra.s32 s17, $0x1F;
	p0 =	slt.s32 s17, $0x0;
	p1 =	sne.s32 s18, $0x0  }
0xd3: {  	s31 =	sshrl.u32 s19, $0x13;
	p0 =	por !p0, !p1  }
0xd4: {  	s18 =	simm.s32 $0x1;
	s17 =	sadd.s32 s31, s17;
	p0 =	por !p0, !p0  }
0xd5: {  	s17 =	sshra.s32 s17, $0xD;
	s18 =	simm.s32 @!p0 $0x0  }
0xd6: {  	s18 =	ssub.s32 s17, s18  }
0xd7: {  	p1 =	slt.s32 s18, $0x2  }
.Ltmp21:
0xd8: {  	_ = 	snop;
	(pc) =	sbr.rel @p1 .LBB2_33-.Ltmp21, $2  }
0xd9: {  	_ =	sdelay $0x2  }
0xda: {  	[tilespmem:s16+$0x2000] =	vst v2  }
0xdb: {  	s16 =	simm.s32 $0xFFFFFFFF  }
0xdc: {  	s16 =	simm.s32 @!p0 $0x0  }
0xdd: {  	s30 =	sadd.s32 s16, s17  }
0xde: {  	s18 =	sadd.s32 s15, s10;
	s15 =	sadd.s32 $0xFFFFFFFF, s30  }
0xdf: {  	p0 =	sne.s32 s15, $0x1  }
.Ltmp22:
0xe0: {  	_ = 	snop;
	(pc) =	sbr.rel @!p0 .LBB2_32-.Ltmp22, $4  }
0xe1: {  	s31 =	sshrl.u32 s18, $0x3  }
0xe2: {  	s16 =	sadd.s32 s4, s31  }
0xe3: {  	[hbm4b:s16+s2] =	stream.linear.scatter [tilespmem:s13], [sflag:$0x3], $0x2000, $0x38;
	[tilespmem:$0x5080] =	vst v63  }
0xe4: {  	s16 =	sadd.s32 $0x2000, s18;
	s15 =	sadd.s32 $0xFFFFFFFF, s15;
	_ =	swait.ge [sflag:s12], $0x2000  }
.LBB2_31:
0xe5: {  	s17 =	sshrl.u32 s16, $0x3;
	[sflag:s12] =	ssyncset.done $0x0;
	p0 =	sne.s32 s15, $0x1  }
.Ltmp23:
0xe6: {  	s17 =	sadd.s32 s4, s17;
	[sflag:s12] =	ssyncadd.s32 $0xFFFFE000;
	(pc) =	sbr.rel @p0 .LBB2_31-.Ltmp23, $3  }
0xe7: {  	[hbm4b:s17+s2] =	stream.linear.scatter [tilespmem:s13], [sflag:$0x3], $0x2000, $0x38;
	[tilespmem:$0x5080] =	vst v63  }
0xe8: {  	s15 =	sadd.s32 $0xFFFFFFFF, s15;
	_ =	sdelay $0x1  }
0xe9: {  	s16 =	sadd.s32 $0x2000, s16;
	_ =	swait.ge [sflag:s12], $0x2000  }
.Ltmp24:
0xea: {  	_ = 	snop;
	(pc) =	sbr.rel .LBB2_32-.Ltmp24, $1  }
0xeb: {  	_ =	sdelay $0x3  }
.LBB2_21:
.Ltmp25:
0xec: {  	(pc) =	sbr.rel .LBB2_25-.Ltmp25, $2  }
0xed: {  	_ =	sdelay $0x2  }
0xee: {  	s18 =	smov.u32 s17  }
.LBB2_23:
.Ltmp26:
0xef: {  	(pc) =	sbr.rel .LBB2_25-.Ltmp26, $2  }
0xf0: {  	_ =	sdelay $0x2  }
0xf1: {  	s18 =	smov.u32 s17  }
.LBB2_34:
0xf2: {  	_ =	sfence.sel $0x180000  }
0xf3: {  	[bflag:$0x0] =	sbarrier.arrive $0xFFFF  }
0xf4: {  	p0 =	sne.s32 s1, $0x0;
	_ =	strace $0x90000047  }
0xf5: {  	s0 =	sadd.s32 @!p0 $0x100000, s0;
	[bflag:$0x2] =	sbarrier.arrive $0xFFFF  }
0xf6: {  	[sflag:s0] =	ssyncadd.tile.s32 @!p0 $0x1;
	_ =	shalt  }
.Lfunc_end2:
_tile_overlayer_lowered:
.L_overlay_start_2:
0xf7: {  	(tag) =	ssettag $0x2  }
0xf8: {  	s0 =	rddreg [dreg:$0x0];
	s2 =	stileid.u32  }
0xf9: {  	s1 =	rddreg [dreg:$0x1];
	p0 =	sne.s32 s2, $0x0  }
0xfa: {  	s3 =	rddreg [dreg:$0x2];
	[bflag:$0x3] =	sbarrier.arrive $0xFFFF;
	s2 =	simm.s32 @!p0 $0x1C03  }
0xfb: {  	[timem:s3], [sflag:s2] =	dma.local @!p0 [hbm:s0], s1  }
0xfc: {  	s0 =	simm.s32 @!p0 $0x3  }
0xfd: {  	_ =	swait.ge @!p0 [sflag:s0], s1  }
0xfe: {  	s1 =	ssub.s32 @!p0 $0x0, s1;
	[sflag:s0] =	ssyncset.done @!p0 $0x0  }
0xff: {  	[sflag:s0] =	ssyncadd.s32 @!p0 s1  }
0x100: {  	[bflag:$0x3] =	sbarrier.arrive $0xFFFF  }
0x101: {  	_ =	shalt  }

</sc_bundles>
